<compile_context>
chip_gen: v7x
topology: tpu7x:2x2x1
jax: 0.10.2.dev20260603
libtpu: 0.0.44.dev20260713+nightly
codegen_flags: <defaults>
</compile_context>

<pallas_src>
import functools

import jax
import jax.numpy as jnp
from jax import lax
from jax.experimental import pallas as pl
from jax.experimental.pallas import tpu as pltpu
from jax.experimental.pallas import tpu_sc as plsc

B = 16
N = 4096
M = 1024
K = 16
CIN = 64
COUT = 128
EPS = 1e-5
MB = 256
FT = 2048
NW = 32
GCH = 128


def _fps_body(coords_ref, fpsc_ref):
    px = coords_ref[:, 0, :]
    py = coords_ref[:, 1, :]
    pz = coords_ref[:, 2, :]
    lane = lax.broadcasted_iota(jnp.int32, (B, N), 1)
    out_lane = lax.broadcasted_iota(jnp.int32, (B, M), 1)

    def extract(sel, arr):
        return jnp.sum(jnp.where(sel, arr, 0.0), axis=1, keepdims=True)

    sel0 = lane == 0
    lx, ly, lz = extract(sel0, px), extract(sel0, py), extract(sel0, pz)
    first = out_lane == 0
    cx = jnp.where(first, lx, 0.0)
    cy = jnp.where(first, ly, 0.0)
    cz = jnp.where(first, lz, 0.0)
    dists = jnp.full((B, N), jnp.inf, dtype=jnp.float32)

    def body(m, carry):
        dists, lx, ly, lz, cx, cy, cz = carry
        d = (px - lx) ** 2 + (py - ly) ** 2 + (pz - lz) ** 2
        dists = jnp.minimum(dists, d)
        mx = jnp.max(dists, axis=1, keepdims=True)
        nxt = jnp.min(jnp.where(dists == mx, lane, N), axis=1, keepdims=True)
        sel = lane == nxt
        lx, ly, lz = extract(sel, px), extract(sel, py), extract(sel, pz)
        om = out_lane == m
        cx = jnp.where(om, lx, cx)
        cy = jnp.where(om, ly, cy)
        cz = jnp.where(om, lz, cz)
        return dists, lx, ly, lz, cx, cy, cz

    carry = (dists, lx, ly, lz, cx, cy, cz)
    _, _, _, _, cx, cy, cz = lax.fori_loop(1, M, body, carry)
    fpsc_ref[:, 0, :] = cx
    fpsc_ref[:, 1, :] = cy
    fpsc_ref[:, 2, :] = cz


def _fps_call(coords):
    return pl.pallas_call(
        _fps_body,
        out_shape=jax.ShapeDtypeStruct((B, 3, M), jnp.float32),
    )(coords)


def _knn_body(fpsT_ref, coords_ref, knn_ref):
    cT = fpsT_ref[0]
    p = coords_ref[0]
    cc = jnp.sum(cT * cT, axis=1, keepdims=True)
    pp = jnp.sum(p * p, axis=0, keepdims=True)
    cp = lax.dot_general(cT, p, (((1,), (0,)), ((), ())),
                         preferred_element_type=jnp.float32)
    D = cc + pp - 2.0 * cp
    lane = lax.broadcasted_iota(jnp.int32, (MB, N), 1)
    for k in range(K):
        mn = jnp.min(D, axis=1, keepdims=True)
        idx = jnp.min(jnp.where(D == mn, lane, N), axis=1, keepdims=True)
        D = jnp.where(lane == idx, jnp.inf, D)
        knn_ref[0, :, pl.ds(k, 1)] = idx


def _knn_call(fpsT, coords):
    grid = (B, M // MB)
    return pl.pallas_call(
        _knn_body,
        grid=grid,
        in_specs=[
            pl.BlockSpec((1, MB, 3), lambda b, j: (b, j, 0)),
            pl.BlockSpec((1, 3, N), lambda b, j: (b, 0, 0)),
        ],
        out_specs=pl.BlockSpec((1, MB, K), lambda b, j: (b, j, 0)),
        out_shape=jax.ShapeDtypeStruct((B, M, K), jnp.int32),
    )(fpsT, coords)


NT = 1024


def _wx_body(xT_ref, WT_ref, wxT_ref):
    wxT_ref[0] = lax.dot_general(xT_ref[0], WT_ref[...],
                                 (((1,), (0,)), ((), ())),
                                 preferred_element_type=jnp.float32)


def _wx_call(xT, WT):
    grid = (B, N // NT)
    return pl.pallas_call(
        _wx_body,
        grid=grid,
        in_specs=[
            pl.BlockSpec((1, NT, CIN), lambda b, j: (b, j, 0)),
            pl.BlockSpec((CIN, COUT), lambda b, j: (0, 0)),
        ],
        out_specs=pl.BlockSpec((1, NT, COUT), lambda b, j: (b, j, 0)),
        out_shape=jax.ShapeDtypeStruct((B, N, COUT), jnp.float32),
    )(xT, WT)


def _stats_body(h_ref, sums_ref):
    b = pl.program_id(0)
    t = pl.program_id(1)
    v = h_ref[0]
    s1 = jnp.sum(v, axis=0, keepdims=True)
    s2 = jnp.sum(v * v, axis=0, keepdims=True)

    @pl.when(jnp.logical_and(b == 0, t == 0))
    def _():
        sums_ref[...] = jnp.zeros_like(sums_ref)

    sums_ref[0, :] = sums_ref[0, :] + s1[0, :]
    sums_ref[1, :] = sums_ref[1, :] + s2[0, :]


def _stats_call(hT3):
    grid = (B, (M * K) // FT)
    return pl.pallas_call(
        _stats_body,
        grid=grid,
        in_specs=[pl.BlockSpec((1, FT, COUT), lambda b, t: (b, t, 0))],
        out_specs=pl.BlockSpec((2, COUT), lambda b, t: (0, 0)),
        out_shape=jax.ShapeDtypeStruct((2, COUT), jnp.float32),
    )(hT3)


def _gather_body(idx_hbm, table_hbm, ctab_hbm,
                 h_hbm, c_hbm,
                 idx_v, rows_v, crow_v, sem, sem2):
    wid = lax.axis_index("s") * 2 + lax.axis_index("c")
    rows_per_w = (B * M * K) // NW
    base = wid * rows_per_w

    def step(t, carry):
        off = base + t * GCH
        pltpu.sync_copy(idx_hbm.at[pl.ds(off, GCH)], idx_v)
        cp1 = pltpu.async_copy(table_hbm.at[idx_v], rows_v, sem)
        cp2 = pltpu.async_copy(ctab_hbm.at[idx_v], crow_v, sem2)
        cp1.wait()
        cp2.wait()
        pltpu.sync_copy(rows_v, h_hbm.at[pl.ds(off, GCH)])
        pltpu.sync_copy(crow_v, c_hbm.at[pl.ds(off, GCH)])
        return carry

    lax.fori_loop(0, rows_per_w // GCH, step, 0)


def _gather_call(idx_flat, table, ctab):
    mesh = plsc.VectorSubcoreMesh(core_axis_name="c", subcore_axis_name="s")
    f = functools.partial(
        pl.kernel,
        out_type=[
            jax.ShapeDtypeStruct((B * M * K, COUT), jnp.float32),
            jax.ShapeDtypeStruct((B * M * K, COUT), jnp.float32),
        ],
        mesh=mesh,
        compiler_params=pltpu.CompilerParams(use_tc_tiling_on_sc=False),
        scratch_types=[
            pltpu.VMEM((GCH,), jnp.int32),
            pltpu.VMEM((GCH, COUT), jnp.float32),
            pltpu.VMEM((GCH, COUT), jnp.float32),
            pltpu.SemaphoreType.DMA,
            pltpu.SemaphoreType.DMA,
        ],
    )(_gather_body)
    return f(idx_flat, table, ctab)


def _fin_body(h_ref, sums_ref, gamma_ref, beta_ref, crows_ref, crep_ref,
              out_ref, y_ref, loc_ref):
    S = float(B * M * K)
    mean = sums_ref[0:1, :] / S
    var = sums_ref[1:2, :] / S - mean * mean
    inv = gamma_ref[...] / jnp.sqrt(var + EPS)
    shift = beta_ref[...] - mean * inv
    v = jnp.maximum(h_ref[0] * inv + shift, 0.0)
    out_ref[0] = v.T
    ym = jnp.max(v.reshape(FT // K, K, COUT), axis=1)
    y_ref[0] = ym.T
    crep = jnp.broadcast_to(crep_ref[0][:, None, :],
                            (FT // K, K, 3)).reshape(FT, 3)
    lr = (crep - crows_ref[0][:, 0:3]).T
    loc_ref[0] = lr


def _fin_call(hT3, sums, gamma2, beta2, crows3, fpsT):
    grid = (B, (M * K) // FT)
    return pl.pallas_call(
        _fin_body,
        grid=grid,
        in_specs=[
            pl.BlockSpec((1, FT, COUT), lambda b, t: (b, t, 0)),
            pl.BlockSpec((2, COUT), lambda b, t: (0, 0)),
            pl.BlockSpec((1, COUT), lambda b, t: (0, 0)),
            pl.BlockSpec((1, COUT), lambda b, t: (0, 0)),
            pl.BlockSpec((1, FT, COUT), lambda b, t: (b, t, 0)),
            pl.BlockSpec((1, FT // K, 3), lambda b, t: (b, t, 0)),
        ],
        out_specs=[
            pl.BlockSpec((1, COUT, FT), lambda b, t: (b, 0, t)),
            pl.BlockSpec((1, COUT, FT // K), lambda b, t: (b, 0, t)),
            pl.BlockSpec((1, 3, FT), lambda b, t: (b, 0, t)),
        ],
        out_shape=[
            jax.ShapeDtypeStruct((B, COUT, M * K), jnp.float32),
            jax.ShapeDtypeStruct((B, COUT, M), jnp.float32),
            jax.ShapeDtypeStruct((B, 3, M * K), jnp.float32),
        ],
    )(hT3, sums, gamma2, beta2, crows3, fpsT)


def kernel(x, coords, W, gamma, beta):
    fps_coords = _fps_call(coords)
    fpsT = jnp.transpose(fps_coords, (0, 2, 1))
    knn_idx = _knn_call(fpsT, coords)
    xT = jnp.transpose(x, (0, 2, 1))
    wxT = _wx_call(xT, W.T)
    coordsT_pad = jnp.pad(jnp.transpose(coords, (0, 2, 1)),
                          ((0, 0), (0, 0), (0, COUT - 3))).reshape(B * N, COUT)
    offs = (jnp.arange(B, dtype=jnp.int32) * N)[:, None, None]
    idx_flat = (knn_idx + offs).reshape(B * M * K)
    hT, crows = _gather_call(idx_flat, wxT.reshape(B * N, COUT), coordsT_pad)
    hT3 = hT.reshape(B, M * K, COUT)
    sums = _stats_call(hT3)
    out3, y, loc3 = _fin_call(hT3, sums,
                              gamma.reshape(1, COUT), beta.reshape(1, COUT),
                              crows.reshape(B, M * K, COUT), fpsT)
    knn_mlp_x = out3.reshape(B, COUT, M, K)
    local_coords = loc3.reshape(B, 3, M, K)
    return (y, fps_coords, knn_mlp_x, local_coords)

# --- scband reference (transcript-rebuilt; emitter-appended) ---
"""Pipeline reference for scband-transition-down-56538949485052 (READ-ONLY COPY).

The authoritative reference and input builder live on the scoring server;
editing this copy changes nothing except your own understanding.
"""

import jax, jax.numpy as jnp
import numpy as np

K = 16
NUM_SAMPLES = 1024
EPS = 1e-5


def index2points(points, idx):
    # points: [B, C, N]; idx: [B, M] or [B, M, K]
    B, C, N = points.shape
    if idx.ndim == 2:
        return jnp.take_along_axis(points, idx[:, None, :], axis=2)
    M, Kk = idx.shape[1], idx.shape[2]
    flat = idx.reshape(B, M * Kk)
    out = jnp.take_along_axis(points, flat[:, None, :], axis=2)
    return out.reshape(B, C, M, Kk)


def furthest_point_sampling(coords, num_samples):
    pts = jnp.transpose(coords, (0, 2, 1))  # [B, N, 3]
    B, N, _ = pts.shape

    def body(carry, _):
        dists, last = carry
        d = jnp.sum((pts - last[:, None, :]) ** 2, axis=-1)  # [B, N]
        dists = jnp.minimum(dists, d)
        nxt = jnp.argmax(dists, axis=-1).astype(jnp.int32)  # [B]
        last = jnp.take_along_axis(pts, nxt[:, None, None], axis=1)[:, 0, :]
        return (dists, last), nxt

    init = (jnp.full((B, N), jnp.inf, dtype=pts.dtype), pts[:, 0, :])
    _, rest = jax.lax.scan(body, init, None, length=num_samples - 1)  # [M-1, B]
    first = jnp.zeros((1, B), dtype=jnp.int32)
    idxs = jnp.concatenate([first, rest], axis=0)  # [M, B]
    return jnp.transpose(idxs, (1, 0))  # [B, M]


def k_nearest_neighbors(centers, coords, k):
    # centers: [B, 3, M]; coords: [B, 3, N]
    c = jnp.transpose(centers, (0, 2, 1))  # [B, M, 3]
    p = jnp.transpose(coords, (0, 2, 1))  # [B, N, 3]
    d = (jnp.sum(c ** 2, axis=-1)[:, :, None]
         + jnp.sum(p ** 2, axis=-1)[:, None, :]
         - 2.0 * jnp.einsum('bmd,bnd->bmn', c, p))  # [B, M, N]
    negd, idx = jax.lax.top_k(-d, k)
    return idx, -negd


def localize(centers, points):
    # centers: [B, 3, M]; points: [B, 3, M, K]
    return points - centers[:, :, :, None]


def setup_inputs(seed: int = 0) -> dict:
    key = jax.random.key(seed)
    k1, k2, k3 = jax.random.split(key, 3)
    x = jax.random.normal(k1, (16, 64, 4096), dtype=jnp.float32)
    coords = jax.random.uniform(k2, (16, 3, 4096), dtype=jnp.float32)
    W = jax.random.normal(k3, (128, 64), dtype=jnp.float32) * 0.05  # Conv2d 1x1, no bias
    gamma = jnp.ones((128,), dtype=jnp.float32)  # BatchNorm2d weight
    beta = jnp.zeros((128,), dtype=jnp.float32)  # BatchNorm2d bias
    return {"x": x, "coords": coords, "W": W, "gamma": gamma, "beta": beta}


def reference(x, coords, W, gamma, beta):
    fps_indices = furthest_point_sampling(coords, NUM_SAMPLES)  # [B, M]
    fps_coords = index2points(coords, fps_indices)  # [B, 3, M]
    knn_indices, _ = k_nearest_neighbors(fps_coords, coords, K)  # [B, M, K]
    knn_coords = index2points(coords, knn_indices)  # [B, 3, M, K]
    local_coords = localize(fps_coords, knn_coords) * -1.0  # [B, 3, M, K]
    knn_x = index2points(x, knn_indices)  # [B, C_in, M, K]
    # mlp: Conv2d(1x1, no bias) -> BatchNorm2d (training-mode batch stats) -> ReLU
    h = jnp.einsum('oi,bimk->bomk', W, knn_x)  # [B, C_out, M, K]
    mean = jnp.mean(h, axis=(0, 2, 3), keepdims=True)
    var = jnp.var(h, axis=(0, 2, 3), keepdims=True)
    h = (h - mean) / jnp.sqrt(var + EPS) * gamma[None, :, None, None] + beta[None, :, None, None]
    knn_mlp_x = jax.nn.relu(h)
    y = jnp.max(knn_mlp_x, axis=-1)  # [B, C_out, M]
    return (y, fps_coords, knn_mlp_x, local_coords)

if __name__ == "__main__":
    import jax
    _d = setup_inputs()
    print(jax.jit(kernel)(*tuple(_d.values())))

</pallas_src>

<mosaic_0001>
#map = affine_map<(d0, d1) -> (0)>
#map1 = affine_map<(d0, d1) -> (0, 0)>
module attributes {stable_mosaic.version = 14 : i64} {
  func.func @_gather_body(%arg0: i32, %arg1: i32, %arg2: memref<262144xi32, #tpu.memory_space<hbm>>, %arg3: memref<65536x128xf32, #tpu.memory_space<hbm>>, %arg4: memref<65536x128xf32, #tpu.memory_space<hbm>>, %arg5: memref<262144x128xf32, #tpu.memory_space<hbm>>, %arg6: memref<262144x128xf32, #tpu.memory_space<hbm>>, %arg7: memref<128xi32, #tpu.memory_space<vmem>>, %arg8: memref<128x128xf32, #tpu.memory_space<vmem>>, %arg9: memref<128x128xf32, #tpu.memory_space<vmem>>, %arg10: memref<!tpu.dma_semaphore, #tpu.memory_space<semaphore_mem>>, %arg11: memref<!tpu.dma_semaphore, #tpu.memory_space<semaphore_mem>>) attributes {dimension_semantics = [#tpu.dimension_semantics<core_parallel>, #tpu.dimension_semantics<subcore_parallel>], iteration_bounds = array<i64: 2, 16>, scalar_prefetch = 0 : i64, scratch_operands = 5 : i64, tpu.core_type = #tpu.core_type<sc_vector_subcore>, window_params = [{transform_indices = #map}, {transform_indices = #map1}, {transform_indices = #map1}, {transform_indices = #map1}, {transform_indices = #map1}]} {
    %mul3A = arith.constant 2 : i32
    %mul3A_0 = arith.muli %arg1, %mul3A : i32
    %add3A = arith.addi %mul3A_0, %arg0 : i32
    %mul3A_1 = arith.constant 8192 : i32
    %mul3A_2 = arith.muli %add3A, %mul3A_1 : i32
    %scan3A = arith.constant 0 : i32
    %scan3A_3 = arith.constant 0 : i32
    %scan3A_4 = arith.constant 64 : i32
    %scan3A_5 = arith.addi %scan3A_3, %scan3A_4 : i32
    %scan3A_6 = arith.constant 1 : i32
    scf.for %scan3A_8 = %scan3A_3 to %scan3A_5 step %scan3A_6  : i32 {
      %mul3A_9 = arith.constant 128 : i32
      %mul3A_10 = arith.muli %scan3A_8, %mul3A_9 : i32
      %add3A_11 = arith.addi %mul3A_2, %mul3A_10 : i32
      "tpu.region"() ({
        %run_scoped3A = tpu.sem_alloc : memref<!tpu.dma_semaphore, #tpu.memory_space<semaphore_mem>>
        %dma_start3A_22 = tpu.memref_slice %arg2[%add3A_11] : memref<262144xi32, #tpu.memory_space<hbm>> -> memref<128xi32, #tpu.memory_space<hbm>>
        %dma_start3A_23 = tpu.memref_slice %arg2[%add3A_11] : memref<262144xi32, #tpu.memory_space<hbm>> -> memref<128xi32, #tpu.memory_space<hbm>>
        tpu.enqueue_dma source(%dma_start3A_23 : memref<128xi32, #tpu.memory_space<hbm>>) target(%arg7 : memref<128xi32, #tpu.memory_space<vmem>>) target_semaphore(%run_scoped3A : memref<!tpu.dma_semaphore, #tpu.memory_space<semaphore_mem>>)
        %dma_wait3A_24 = tpu.memref_slice %arg2[%add3A_11] : memref<262144xi32, #tpu.memory_space<hbm>> -> memref<128xi32, #tpu.memory_space<hbm>>
        %dma_wait3A_25 = tpu.memref_slice %arg2[%add3A_11] : memref<262144xi32, #tpu.memory_space<hbm>> -> memref<128xi32, #tpu.memory_space<hbm>>
        tpu.wait_dma2 semaphore(%run_scoped3A : memref<!tpu.dma_semaphore, #tpu.memory_space<semaphore_mem>>) src(%dma_wait3A_25 : memref<128xi32, #tpu.memory_space<hbm>>) dst(%arg7 : memref<128xi32, #tpu.memory_space<vmem>>)
        tpu.yield
      }) : () -> ()
      %dma_start3A = arith.constant 0 : i32
      %dma_start3A_12 = arith.constant 0 : i32
      %dma_start3A_13 = tpu.memref_slice %arg3[%dma_start3A, %dma_start3A_12] : memref<65536x128xf32, #tpu.memory_space<hbm>> -> memref<65536x128xf32, #tpu.memory_space<hbm>>
      tpu.enqueue_indirect_dma source(%dma_start3A_13 : memref<65536x128xf32, #tpu.memory_space<hbm>>) target(%arg8 : memref<128x128xf32, #tpu.memory_space<vmem>>) offsets(%arg7 : memref<128xi32, #tpu.memory_space<vmem>>) semaphore(%arg10 : memref<!tpu.dma_semaphore, #tpu.memory_space<semaphore_mem>>)
      %dma_start3A_14 = arith.constant 0 : i32
      %dma_start3A_15 = arith.constant 0 : i32
      %dma_start3A_16 = tpu.memref_slice %arg4[%dma_start3A_14, %dma_start3A_15] : memref<65536x128xf32, #tpu.memory_space<hbm>> -> memref<65536x128xf32, #tpu.memory_space<hbm>>
      tpu.enqueue_indirect_dma source(%dma_start3A_16 : memref<65536x128xf32, #tpu.memory_space<hbm>>) target(%arg9 : memref<128x128xf32, #tpu.memory_space<vmem>>) offsets(%arg7 : memref<128xi32, #tpu.memory_space<vmem>>) semaphore(%arg11 : memref<!tpu.dma_semaphore, #tpu.memory_space<semaphore_mem>>)
      %dma_wait3A = arith.constant 0 : i32
      %dma_wait3A_17 = arith.constant 0 : i32
      %dma_wait3A_18 = tpu.memref_slice %arg3[%dma_wait3A, %dma_wait3A_17] : memref<65536x128xf32, #tpu.memory_space<hbm>> -> memref<65536x128xf32, #tpu.memory_space<hbm>>
      tpu.wait_indirect_dma semaphore(%arg10 : memref<!tpu.dma_semaphore, #tpu.memory_space<semaphore_mem>>) src(%dma_wait3A_18 : memref<65536x128xf32, #tpu.memory_space<hbm>>) dst(%arg8 : memref<128x128xf32, #tpu.memory_space<vmem>>)
      %dma_wait3A_19 = arith.constant 0 : i32
      %dma_wait3A_20 = arith.constant 0 : i32
      %dma_wait3A_21 = tpu.memref_slice %arg4[%dma_wait3A_19, %dma_wait3A_20] : memref<65536x128xf32, #tpu.memory_space<hbm>> -> memref<65536x128xf32, #tpu.memory_space<hbm>>
      tpu.wait_indirect_dma semaphore(%arg11 : memref<!tpu.dma_semaphore, #tpu.memory_space<semaphore_mem>>) src(%dma_wait3A_21 : memref<65536x128xf32, #tpu.memory_space<hbm>>) dst(%arg9 : memref<128x128xf32, #tpu.memory_space<vmem>>)
      "tpu.region"() ({
        %run_scoped3A = tpu.sem_alloc : memref<!tpu.dma_semaphore, #tpu.memory_space<semaphore_mem>>
        %dma_start3A_22 = arith.constant 0 : i32
        %dma_start3A_23 = tpu.memref_slice %arg5[%add3A_11, %dma_start3A_22] : memref<262144x128xf32, #tpu.memory_space<hbm>> -> memref<128x128xf32, #tpu.memory_space<hbm>>
        %dma_start3A_24 = arith.constant 0 : i32
        %dma_start3A_25 = tpu.memref_slice %arg5[%add3A_11, %dma_start3A_24] : memref<262144x128xf32, #tpu.memory_space<hbm>> -> memref<128x128xf32, #tpu.memory_space<hbm>>
        tpu.enqueue_dma source(%arg8 : memref<128x128xf32, #tpu.memory_space<vmem>>) target(%dma_start3A_25 : memref<128x128xf32, #tpu.memory_space<hbm>>) target_semaphore(%run_scoped3A : memref<!tpu.dma_semaphore, #tpu.memory_space<semaphore_mem>>)
        %dma_wait3A_26 = arith.constant 0 : i32
        %dma_wait3A_27 = tpu.memref_slice %arg5[%add3A_11, %dma_wait3A_26] : memref<262144x128xf32, #tpu.memory_space<hbm>> -> memref<128x128xf32, #tpu.memory_space<hbm>>
        %dma_wait3A_28 = arith.constant 0 : i32
        %dma_wait3A_29 = tpu.memref_slice %arg5[%add3A_11, %dma_wait3A_28] : memref<262144x128xf32, #tpu.memory_space<hbm>> -> memref<128x128xf32, #tpu.memory_space<hbm>>
        tpu.wait_dma2 semaphore(%run_scoped3A : memref<!tpu.dma_semaphore, #tpu.memory_space<semaphore_mem>>) src(%arg8 : memref<128x128xf32, #tpu.memory_space<vmem>>) dst(%dma_wait3A_29 : memref<128x128xf32, #tpu.memory_space<hbm>>)
        tpu.yield
      }) : () -> ()
      "tpu.region"() ({
        %run_scoped3A = tpu.sem_alloc : memref<!tpu.dma_semaphore, #tpu.memory_space<semaphore_mem>>
        %dma_start3A_22 = arith.constant 0 : i32
        %dma_start3A_23 = tpu.memref_slice %arg6[%add3A_11, %dma_start3A_22] : memref<262144x128xf32, #tpu.memory_space<hbm>> -> memref<128x128xf32, #tpu.memory_space<hbm>>
        %dma_start3A_24 = arith.constant 0 : i32
        %dma_start3A_25 = tpu.memref_slice %arg6[%add3A_11, %dma_start3A_24] : memref<262144x128xf32, #tpu.memory_space<hbm>> -> memref<128x128xf32, #tpu.memory_space<hbm>>
        tpu.enqueue_dma source(%arg9 : memref<128x128xf32, #tpu.memory_space<vmem>>) target(%dma_start3A_25 : memref<128x128xf32, #tpu.memory_space<hbm>>) target_semaphore(%run_scoped3A : memref<!tpu.dma_semaphore, #tpu.memory_space<semaphore_mem>>)
        %dma_wait3A_26 = arith.constant 0 : i32
        %dma_wait3A_27 = tpu.memref_slice %arg6[%add3A_11, %dma_wait3A_26] : memref<262144x128xf32, #tpu.memory_space<hbm>> -> memref<128x128xf32, #tpu.memory_space<hbm>>
        %dma_wait3A_28 = arith.constant 0 : i32
        %dma_wait3A_29 = tpu.memref_slice %arg6[%add3A_11, %dma_wait3A_28] : memref<262144x128xf32, #tpu.memory_space<hbm>> -> memref<128x128xf32, #tpu.memory_space<hbm>>
        tpu.wait_dma2 semaphore(%run_scoped3A : memref<!tpu.dma_semaphore, #tpu.memory_space<semaphore_mem>>) src(%arg9 : memref<128x128xf32, #tpu.memory_space<vmem>>) dst(%dma_wait3A_29 : memref<128x128xf32, #tpu.memory_space<hbm>>)
        tpu.yield
      }) : () -> ()
    }
    %scan3A_7 = arith.constant 64 : i32
    return
  }
}

module attributes {stable_mosaic.version = 14 : i64} {
  func.func @_knn_body(%arg0: i32, %arg1: i32, %arg2: memref<1x256x3xf32, #tpu.memory_space<vmem>>, %arg3: memref<1x3x4096xf32, #tpu.memory_space<vmem>>, %arg4: memref<1x256x16xi32, #tpu.memory_space<vmem>>) attributes {dimension_semantics = [#tpu.dimension_semantics<arbitrary>, #tpu.dimension_semantics<arbitrary>], iteration_bounds = array<i64: 16, 4>, scalar_prefetch = 0 : i64, scratch_operands = 0 : i64, tpu.core_type = #tpu.core_type<tc>, window_params = [{transform_indices = @transform_0, window_bounds = array<i64: 1, 256, 3>}, {transform_indices = @transform_1, window_bounds = array<i64: 1, 3, 4096>}, {transform_indices = @transform_2, window_bounds = array<i64: 1, 256, 16>}]} {
    %get3A = arith.constant 0 : index
    %get3A_0 = arith.constant 0 : index
    %get3A_1 = arith.constant 0 : index
    %get3A_2 = vector.load %arg2[%get3A, %get3A_0, %get3A_1] : memref<1x256x3xf32, #tpu.memory_space<vmem>>, vector<1x256x3xf32>
    %get3A_3 = vector.shape_cast %get3A_2 : vector<1x256x3xf32> to vector<256x3xf32>
    %get3A_4 = arith.constant 0 : index
    %get3A_5 = arith.constant 0 : index
    %get3A_6 = arith.constant 0 : index
    %get3A_7 = vector.load %arg3[%get3A_4, %get3A_5, %get3A_6] : memref<1x3x4096xf32, #tpu.memory_space<vmem>>, vector<1x3x4096xf32>
    %get3A_8 = vector.shape_cast %get3A_7 : vector<1x3x4096xf32> to vector<3x4096xf32>
    %mul3A = arith.mulf %get3A_3, %get3A_3 : vector<256x3xf32>
    %reduce_sum3A = arith.constant dense<0.000000e+00> : vector<256xf32>
    %reduce_sum3A_9 = vector.multi_reduction <add>, %mul3A, %reduce_sum3A [1] : vector<256x3xf32> to vector<256xf32>
    %broadcast_in_dim3A = vector.shape_cast %reduce_sum3A_9 : vector<256xf32> to vector<256x1xf32>
    %mul3A_10 = arith.mulf %get3A_8, %get3A_8 : vector<3x4096xf32>
    %reduce_sum3A_11 = arith.constant dense<0.000000e+00> : vector<4096xf32>
    %reduce_sum3A_12 = vector.multi_reduction <add>, %mul3A_10, %reduce_sum3A_11 [0] : vector<3x4096xf32> to vector<4096xf32>
    %broadcast_in_dim3A_13 = vector.shape_cast %reduce_sum3A_12 : vector<4096xf32> to vector<1x4096xf32>
    %dot_general3A = arith.constant dense<0.000000e+00> : vector<256x4096xf32>
    %dot_general3A_14 = tpu.matmul %get3A_3, %get3A_8, %dot_general3A {dimension_numbers = #tpu.dot_dimension_numbers<[1], [0], [0], [1], [0, 0, 1, 1], [], []>, transpose_lhs_hint = false} : vector<256x3xf32>, vector<3x4096xf32>, vector<256x4096xf32> -> vector<256x4096xf32>
    %add3A = vector.broadcast %broadcast_in_dim3A : vector<256x1xf32> to vector<256x4096xf32>
    %add3A_15 = vector.broadcast %broadcast_in_dim3A_13 : vector<1x4096xf32> to vector<256x4096xf32>
    %add3A_16 = arith.addf %add3A, %add3A_15 : vector<256x4096xf32>
    %mul3A_17 = arith.constant 2.000000e+00 : f32
    %mul3A_18 = vector.broadcast %mul3A_17 : f32 to vector<256x4096xf32>
    %mul3A_19 = arith.mulf %mul3A_18, %dot_general3A_14 : vector<256x4096xf32>
    %sub3A = arith.subf %add3A_16, %mul3A_19 : vector<256x4096xf32>
    %iota3A = tpu.iota {dimensions = array<i32: 1>} : vector<256x4096xi32>
    %reduce_min3A = arith.constant dense<0x7F800000> : vector<256xf32>
    %reduce_min3A_20 = vector.multi_reduction <minimumf>, %sub3A, %reduce_min3A [1] : vector<256x4096xf32> to vector<256xf32>
    %broadcast_in_dim3A_21 = vector.shape_cast %reduce_min3A_20 : vector<256xf32> to vector<256x1xf32>
    %eq3A = vector.broadcast %broadcast_in_dim3A_21 : vector<256x1xf32> to vector<256x4096xf32>
    %eq3A_22 = arith.cmpf oeq, %sub3A, %eq3A : vector<256x4096xf32>
    %jit3A = arith.constant 4096 : i32
    %broadcast_in_dim3A_23 = vector.broadcast %jit3A : i32 to vector<256x4096xi32>
    %select_n3A = arith.select %eq3A_22, %iota3A, %broadcast_in_dim3A_23 : vector<256x4096xi1>, vector<256x4096xi32>
    %reduce_min3A_24 = arith.constant dense<2147483647> : vector<256xi32>
    %reduce_min3A_25 = vector.multi_reduction <minsi>, %select_n3A, %reduce_min3A_24 [1] : vector<256x4096xi32> to vector<256xi32>
    %broadcast_in_dim3A_26 = vector.shape_cast %reduce_min3A_25 : vector<256xi32> to vector<256x1xi32>
    %eq3A_27 = vector.broadcast %broadcast_in_dim3A_26 : vector<256x1xi32> to vector<256x4096xi32>
    %eq3A_28 = arith.cmpi eq, %iota3A, %eq3A_27 : vector<256x4096xi32>
    %jit3A_29 = arith.constant 0x7F800000 : f32
    %broadcast_in_dim3A_30 = vector.broadcast %jit3A_29 : f32 to vector<256x4096xf32>
    %select_n3A_31 = arith.select %eq3A_28, %broadcast_in_dim3A_30, %sub3A : vector<256x4096xi1>, vector<256x4096xf32>
    %swap3A = arith.constant 0 : index
    %swap3A_32 = arith.constant 0 : index
    %swap3A_33 = arith.constant 0 : index
    %swap3A_34 = vector.load %arg4[%swap3A, %swap3A_32, %swap3A_33] : memref<1x256x16xi32, #tpu.memory_space<vmem>>, vector<1x256x1xi32>
    %swap3A_35 = vector.shape_cast %swap3A_34 : vector<1x256x1xi32> to vector<256x1xi32>
    %swap3A_36 = vector.shape_cast %broadcast_in_dim3A_26 : vector<256x1xi32> to vector<1x256x1xi32>
    tpu.vector_store %arg4[%swap3A, %swap3A_32, %swap3A_33], %swap3A_36 {strides = array<i32>} : memref<1x256x16xi32, #tpu.memory_space<vmem>>, vector<1x256x1xi32>,
    %reduce_min3A_37 = arith.constant dense<0x7F800000> : vector<256xf32>
    %reduce_min3A_38 = vector.multi_reduction <minimumf>, %select_n3A_31, %reduce_min3A_37 [1] : vector<256x4096xf32> to vector<256xf32>
    %broadcast_in_dim3A_39 = vector.shape_cast %reduce_min3A_38 : vector<256xf32> to vector<256x1xf32>
    %eq3A_40 = vector.broadcast %broadcast_in_dim3A_39 : vector<256x1xf32> to vector<256x4096xf32>
    %eq3A_41 = arith.cmpf oeq, %select_n3A_31, %eq3A_40 : vector<256x4096xf32>
    %jit3A_42 = arith.constant 4096 : i32
    %broadcast_in_dim3A_43 = vector.broadcast %jit3A_42 : i32 to vector<256x4096xi32>
    %select_n3A_44 = arith.select %eq3A_41, %iota3A, %broadcast_in_dim3A_43 : vector<256x4096xi1>, vector<256x4096xi32>
    %reduce_min3A_45 = arith.constant dense<2147483647> : vector<256xi32>
    %reduce_min3A_46 = vector.multi_reduction <minsi>, %select_n3A_44, %reduce_min3A_45 [1] : vector<256x4096xi32> to vector<256xi32>
    %broadcast_in_dim3A_47 = vector.shape_cast %reduce_min3A_46 : vector<256xi32> to vector<256x1xi32>
    %eq3A_48 = vector.broadcast %broadcast_in_dim3A_47 : vector<256x1xi32> to vector<256x4096xi32>
    %eq3A_49 = arith.cmpi eq, %iota3A, %eq3A_48 : vector<256x4096xi32>
    %jit3A_50 = arith.constant 0x7F800000 : f32
    %broadcast_in_dim3A_51 = vector.broadcast %jit3A_50 : f32 to vector<256x4096xf32>
    %select_n3A_52 = arith.select %eq3A_49, %broadcast_in_dim3A_51, %select_n3A_31 : vector<256x4096xi1>, vector<256x4096xf32>
    %swap3A_53 = arith.constant 0 : index
    %swap3A_54 = arith.constant 0 : index
    %swap3A_55 = arith.constant 1 : index
    %swap3A_56 = vector.load %arg4[%swap3A_53, %swap3A_54, %swap3A_55] : memref<1x256x16xi32, #tpu.memory_space<vmem>>, vector<1x256x1xi32>
    %swap3A_57 = vector.shape_cast %swap3A_56 : vector<1x256x1xi32> to vector<256x1xi32>
    %swap3A_58 = vector.shape_cast %broadcast_in_dim3A_47 : vector<256x1xi32> to vector<1x256x1xi32>
    tpu.vector_store %arg4[%swap3A_53, %swap3A_54, %swap3A_55], %swap3A_58 {strides = array<i32>} : memref<1x256x16xi32, #tpu.memory_space<vmem>>, vector<1x256x1xi32>,
    %reduce_min3A_59 = arith.constant dense<0x7F800000> : vector<256xf32>
    %reduce_min3A_60 = vector.multi_reduction <minimumf>, %select_n3A_52, %reduce_min3A_59 [1] : vector<256x4096xf32> to vector<256xf32>
    %broadcast_in_dim3A_61 = vector.shape_cast %reduce_min3A_60 : vector<256xf32> to vector<256x1xf32>
    %eq3A_62 = vector.broadcast %broadcast_in_dim3A_61 : vector<256x1xf32> to vector<256x4096xf32>
    %eq3A_63 = arith.cmpf oeq, %select_n3A_52, %eq3A_62 : vector<256x4096xf32>
    %jit3A_64 = arith.constant 4096 : i32
    %broadcast_in_dim3A_65 = vector.broadcast %jit3A_64 : i32 to vector<256x4096xi32>
    %select_n3A_66 = arith.select %eq3A_63, %iota3A, %broadcast_in_dim3A_65 : vector<256x4096xi1>, vector<256x4096xi32>
    %reduce_min3A_67 = arith.constant dense<2147483647> : vector<256xi32>
    %reduce_min3A_68 = vector.multi_reduction <minsi>, %select_n3A_66, %reduce_min3A_67 [1] : vector<256x4096xi32> to vector<256xi32>
    %broadcast_in_dim3A_69 = vector.shape_cast %reduce_min3A_68 : vector<256xi32> to vector<256x1xi32>
    %eq3A_70 = vector.broadcast %broadcast_in_dim3A_69 : vector<256x1xi32> to vector<256x4096xi32>
    %eq3A_71 = arith.cmpi eq, %iota3A, %eq3A_70 : vector<256x4096xi32>
    %jit3A_72 = arith.constant 0x7F800000 : f32
    %broadcast_in_dim3A_73 = vector.broadcast %jit3A_72 : f32 to vector<256x4096xf32>
    %select_n3A_74 = arith.select %eq3A_71, %broadcast_in_dim3A_73, %select_n3A_52 : vector<256x4096xi1>, vector<256x4096xf32>
    %swap3A_75 = arith.constant 0 : index
    %swap3A_76 = arith.constant 0 : index
    %swap3A_77 = arith.constant 2 : index
    %swap3A_78 = vector.load %arg4[%swap3A_75, %swap3A_76, %swap3A_77] : memref<1x256x16xi32, #tpu.memory_space<vmem>>, vector<1x256x1xi32>
    %swap3A_79 = vector.shape_cast %swap3A_78 : vector<1x256x1xi32> to vector<256x1xi32>
    %swap3A_80 = vector.shape_cast %broadcast_in_dim3A_69 : vector<256x1xi32> to vector<1x256x1xi32>
    tpu.vector_store %arg4[%swap3A_75, %swap3A_76, %swap3A_77], %swap3A_80 {strides = array<i32>} : memref<1x256x16xi32, #tpu.memory_space<vmem>>, vector<1x256x1xi32>,
    %reduce_min3A_81 = arith.constant dense<0x7F800000> : vector<256xf32>
    %reduce_min3A_82 = vector.multi_reduction <minimumf>, %select_n3A_74, %reduce_min3A_81 [1] : vector<256x4096xf32> to vector<256xf32>
    %broadcast_in_dim3A_83 = vector.shape_cast %reduce_min3A_82 : vector<256xf32> to vector<256x1xf32>
    %eq3A_84 = vector.broadcast %broadcast_in_dim3A_83 : vector<256x1xf32> to vector<256x4096xf32>
    %eq3A_85 = arith.cmpf oeq, %select_n3A_74, %eq3A_84 : vector<256x4096xf32>
    %jit3A_86 = arith.constant 4096 : i32
    %broadcast_in_dim3A_87 = vector.broadcast %jit3A_86 : i32 to vector<256x4096xi32>
    %select_n3A_88 = arith.select %eq3A_85, %iota3A, %broadcast_in_dim3A_87 : vector<256x4096xi1>, vector<256x4096xi32>
    %reduce_min3A_89 = arith.constant dense<2147483647> : vector<256xi32>
    %reduce_min3A_90 = vector.multi_reduction <minsi>, %select_n3A_88, %reduce_min3A_89 [1] : vector<256x4096xi32> to vector<256xi32>
    %broadcast_in_dim3A_91 = vector.shape_cast %reduce_min3A_90 : vector<256xi32> to vector<256x1xi32>
    %eq3A_92 = vector.broadcast %broadcast_in_dim3A_91 : vector<256x1xi32> to vector<256x4096xi32>
    %eq3A_93 = arith.cmpi eq, %iota3A, %eq3A_92 : vector<256x4096xi32>
    %jit3A_94 = arith.constant 0x7F800000 : f32
    %broadcast_in_dim3A_95 = vector.broadcast %jit3A_94 : f32 to vector<256x4096xf32>
    %select_n3A_96 = arith.select %eq3A_93, %broadcast_in_dim3A_95, %select_n3A_74 : vector<256x4096xi1>, vector<256x4096xf32>
    %swap3A_97 = arith.constant 0 : index
    %swap3A_98 = arith.constant 0 : index
    %swap3A_99 = arith.constant 3 : index
    %swap3A_100 = vector.load %arg4[%swap3A_97, %swap3A_98, %swap3A_99] : memref<1x256x16xi32, #tpu.memory_space<vmem>>, vector<1x256x1xi32>
    %swap3A_101 = vector.shape_cast %swap3A_100 : vector<1x256x1xi32> to vector<256x1xi32>
    %swap3A_102 = vector.shape_cast %broadcast_in_dim3A_91 : vector<256x1xi32> to vector<1x256x1xi32>
    tpu.vector_store %arg4[%swap3A_97, %swap3A_98, %swap3A_99], %swap3A_102 {strides = array<i32>} : memref<1x256x16xi32, #tpu.memory_space<vmem>>, vector<1x256x1xi32>,
    %reduce_min3A_103 = arith.constant dense<0x7F800000> : vector<256xf32>
    %reduce_min3A_104 = vector.multi_reduction <minimumf>, %select_n3A_96, %reduce_min3A_103 [1] : vector<256x4096xf32> to vector<256xf32>
    %broadcast_in_dim3A_105 = vector.shape_cast %reduce_min3A_104 : vector<256xf32> to vector<256x1xf32>
    %eq3A_106 = vector.broadcast %broadcast_in_dim3A_105 : vector<256x1xf32> to vector<256x4096xf32>
    %eq3A_107 = arith.cmpf oeq, %select_n3A_96, %eq3A_106 : vector<256x4096xf32>
    %jit3A_108 = arith.constant 4096 : i32
    %broadcast_in_dim3A_109 = vector.broadcast %jit3A_108 : i32 to vector<256x4096xi32>
    %select_n3A_110 = arith.select %eq3A_107, %iota3A, %broadcast_in_dim3A_109 : vector<256x4096xi1>, vector<256x4096xi32>
    %reduce_min3A_111 = arith.constant dense<2147483647> : vector<256xi32>
    %reduce_min3A_112 = vector.multi_reduction <minsi>, %select_n3A_110, %reduce_min3A_111 [1] : vector<256x4096xi32> to vector<256xi32>
    %broadcast_in_dim3A_113 = vector.shape_cast %reduce_min3A_112 : vector<256xi32> to vector<256x1xi32>
    %eq3A_114 = vector.broadcast %broadcast_in_dim3A_113 : vector<256x1xi32> to vector<256x4096xi32>
    %eq3A_115 = arith.cmpi eq, %iota3A, %eq3A_114 : vector<256x4096xi32>
    %jit3A_116 = arith.constant 0x7F800000 : f32
    %broadcast_in_dim3A_117 = vector.broadcast %jit3A_116 : f32 to vector<256x4096xf32>
    %select_n3A_118 = arith.select %eq3A_115, %broadcast_in_dim3A_117, %select_n3A_96 : vector<256x4096xi1>, vector<256x4096xf32>
    %swap3A_119 = arith.constant 0 : index
    %swap3A_120 = arith.constant 0 : index
    %swap3A_121 = arith.constant 4 : index
    %swap3A_122 = vector.load %arg4[%swap3A_119, %swap3A_120, %swap3A_121] : memref<1x256x16xi32, #tpu.memory_space<vmem>>, vector<1x256x1xi32>
    %swap3A_123 = vector.shape_cast %swap3A_122 : vector<1x256x1xi32> to vector<256x1xi32>
    %swap3A_124 = vector.shape_cast %broadcast_in_dim3A_113 : vector<256x1xi32> to vector<1x256x1xi32>
    tpu.vector_store %arg4[%swap3A_119, %swap3A_120, %swap3A_121], %swap3A_124 {strides = array<i32>} : memref<1x256x16xi32, #tpu.memory_space<vmem>>, vector<1x256x1xi32>,
    %reduce_min3A_125 = arith.constant dense<0x7F800000> : vector<256xf32>
    %reduce_min3A_126 = vector.multi_reduction <minimumf>, %select_n3A_118, %reduce_min3A_125 [1] : vector<256x4096xf32> to vector<256xf32>
    %broadcast_in_dim3A_127 = vector.shape_cast %reduce_min3A_126 : vector<256xf32> to vector<256x1xf32>
    %eq3A_128 = vector.broadcast %broadcast_in_dim3A_127 : vector<256x1xf32> to vector<256x4096xf32>
    %eq3A_129 = arith.cmpf oeq, %select_n3A_118, %eq3A_128 : vector<256x4096xf32>
    %jit3A_130 = arith.constant 4096 : i32
    %broadcast_in_dim3A_131 = vector.broadcast %jit3A_130 : i32 to vector<256x4096xi32>
    %select_n3A_132 = arith.select %eq3A_129, %iota3A, %broadcast_in_dim3A_131 : vector<256x4096xi1>, vector<256x4096xi32>
    %reduce_min3A_133 = arith.constant dense<2147483647> : vector<256xi32>
    %reduce_min3A_134 = vector.multi_reduction <minsi>, %select_n3A_132, %reduce_min3A_133 [1] : vector<256x4096xi32> to vector<256xi32>
    %broadcast_in_dim3A_135 = vector.shape_cast %reduce_min3A_134 : vector<256xi32> to vector<256x1xi32>
    %eq3A_136 = vector.broadcast %broadcast_in_dim3A_135 : vector<256x1xi32> to vector<256x4096xi32>
    %eq3A_137 = arith.cmpi eq, %iota3A, %eq3A_136 : vector<256x4096xi32>
    %jit3A_138 = arith.constant 0x7F800000 : f32
    %broadcast_in_dim3A_139 = vector.broadcast %jit3A_138 : f32 to vector<256x4096xf32>
    %select_n3A_140 = arith.select %eq3A_137, %broadcast_in_dim3A_139, %select_n3A_118 : vector<256x4096xi1>, vector<256x4096xf32>
    %swap3A_141 = arith.constant 0 : index
    %swap3A_142 = arith.constant 0 : index
    %swap3A_143 = arith.constant 5 : index
    %swap3A_144 = vector.load %arg4[%swap3A_141, %swap3A_142, %swap3A_143] : memref<1x256x16xi32, #tpu.memory_space<vmem>>, vector<1x256x1xi32>
    %swap3A_145 = vector.shape_cast %swap3A_144 : vector<1x256x1xi32> to vector<256x1xi32>
    %swap3A_146 = vector.shape_cast %broadcast_in_dim3A_135 : vector<256x1xi32> to vector<1x256x1xi32>
    tpu.vector_store %arg4[%swap3A_141, %swap3A_142, %swap3A_143], %swap3A_146 {strides = array<i32>} : memref<1x256x16xi32, #tpu.memory_space<vmem>>, vector<1x256x1xi32>,
    %reduce_min3A_147 = arith.constant dense<0x7F800000> : vector<256xf32>
    %reduce_min3A_148 = vector.multi_reduction <minimumf>, %select_n3A_140, %reduce_min3A_147 [1] : vector<256x4096xf32> to vector<256xf32>
    %broadcast_in_dim3A_149 = vector.shape_cast %reduce_min3A_148 : vector<256xf32> to vector<256x1xf32>
    %eq3A_150 = vector.broadcast %broadcast_in_dim3A_149 : vector<256x1xf32> to vector<256x4096xf32>
    %eq3A_151 = arith.cmpf oeq, %select_n3A_140, %eq3A_150 : vector<256x4096xf32>
    %jit3A_152 = arith.constant 4096 : i32
    %broadcast_in_dim3A_153 = vector.broadcast %jit3A_152 : i32 to vector<256x4096xi32>
    %select_n3A_154 = arith.select %eq3A_151, %iota3A, %broadcast_in_dim3A_153 : vector<256x4096xi1>, vector<256x4096xi32>
    %reduce_min3A_155 = arith.constant dense<2147483647> : vector<256xi32>
    %reduce_min3A_156 = vector.multi_reduction <minsi>, %select_n3A_154, %reduce_min3A_155 [1] : vector<256x4096xi32> to vector<256xi32>
    %broadcast_in_dim3A_157 = vector.shape_cast %reduce_min3A_156 : vector<256xi32> to vector<256x1xi32>
    %eq3A_158 = vector.broadcast %broadcast_in_dim3A_157 : vector<256x1xi32> to vector<256x4096xi32>
    %eq3A_159 = arith.cmpi eq, %iota3A, %eq3A_158 : vector<256x4096xi32>
    %jit3A_160 = arith.constant 0x7F800000 : f32
    %broadcast_in_dim3A_161 = vector.broadcast %jit3A_160 : f32 to vector<256x4096xf32>
    %select_n3A_162 = arith.select %eq3A_159, %broadcast_in_dim3A_161, %select_n3A_140 : vector<256x4096xi1>, vector<256x4096xf32>
    %swap3A_163 = arith.constant 0 : index
    %swap3A_164 = arith.constant 0 : index
    %swap3A_165 = arith.constant 6 : index
    %swap3A_166 = vector.load %arg4[%swap3A_163, %swap3A_164, %swap3A_165] : memref<1x256x16xi32, #tpu.memory_space<vmem>>, vector<1x256x1xi32>
    %swap3A_167 = vector.shape_cast %swap3A_166 : vector<1x256x1xi32> to vector<256x1xi32>
    %swap3A_168 = vector.shape_cast %broadcast_in_dim3A_157 : vector<256x1xi32> to vector<1x256x1xi32>
    tpu.vector_store %arg4[%swap3A_163, %swap3A_164, %swap3A_165], %swap3A_168 {strides = array<i32>} : memref<1x256x16xi32, #tpu.memory_space<vmem>>, vector<1x256x1xi32>,
    %reduce_min3A_169 = arith.constant dense<0x7F800000> : vector<256xf32>
    %reduce_min3A_170 = vector.multi_reduction <minimumf>, %select_n3A_162, %reduce_min3A_169 [1] : vector<256x4096xf32> to vector<256xf32>
    %broadcast_in_dim3A_171 = vector.shape_cast %reduce_min3A_170 : vector<256xf32> to vector<256x1xf32>
    %eq3A_172 = vector.broadcast %broadcast_in_dim3A_171 : vector<256x1xf32> to vector<256x4096xf32>
    %eq3A_173 = arith.cmpf oeq, %select_n3A_162, %eq3A_172 : vector<256x4096xf32>
    %jit3A_174 = arith.constant 4096 : i32
    %broadcast_in_dim3A_175 = vector.broadcast %jit3A_174 : i32 to vector<256x4096xi32>
    %select_n3A_176 = arith.select %eq3A_173, %iota3A, %broadcast_in_dim3A_175 : vector<256x4096xi1>, vector<256x4096xi32>
    %reduce_min3A_177 = arith.constant dense<2147483647> : vector<256xi32>
    %reduce_min3A_178 = vector.multi_reduction <minsi>, %select_n3A_176, %reduce_min3A_177 [1] : vector<256x4096xi32> to vector<256xi32>
    %broadcast_in_dim3A_179 = vector.shape_cast %reduce_min3A_178 : vector<256xi32> to vector<256x1xi32>
    %eq3A_180 = vector.broadcast %broadcast_in_dim3A_179 : vector<256x1xi32> to vector<256x4096xi32>
    %eq3A_181 = arith.cmpi eq, %iota3A, %eq3A_180 : vector<256x4096xi32>
    %jit3A_182 = arith.constant 0x7F800000 : f32
    %broadcast_in_dim3A_183 = vector.broadcast %jit3A_182 : f32 to vector<256x4096xf32>
    %select_n3A_184 = arith.select %eq3A_181, %broadcast_in_dim3A_183, %select_n3A_162 : vector<256x4096xi1>, vector<256x4096xf32>
    %swap3A_185 = arith.constant 0 : index
    %swap3A_186 = arith.constant 0 : index
    %swap3A_187 = arith.constant 7 : index
    %swap3A_188 = vector.load %arg4[%swap3A_185, %swap3A_186, %swap3A_187] : memref<1x256x16xi32, #tpu.memory_space<vmem>>, vector<1x256x1xi32>
    %swap3A_189 = vector.shape_cast %swap3A_188 : vector<1x256x1xi32> to vector<256x1xi32>
    %swap3A_190 = vector.shape_cast %broadcast_in_dim3A_179 : vector<256x1xi32> to vector<1x256x1xi32>
    tpu.vector_store %arg4[%swap3A_185, %swap3A_186, %swap3A_187], %swap3A_190 {strides = array<i32>} : memref<1x256x16xi32, #tpu.memory_space<vmem>>, vector<1x256x1xi32>,
    %reduce_min3A_191 = arith.constant dense<0x7F800000> : vector<256xf32>
    %reduce_min3A_192 = vector.multi_reduction <minimumf>, %select_n3A_184, %reduce_min3A_191 [1] : vector<256x4096xf32> to vector<256xf32>
    %broadcast_in_dim3A_193 = vector.shape_cast %reduce_min3A_192 : vector<256xf32> to vector<256x1xf32>
    %eq3A_194 = vector.broadcast %broadcast_in_dim3A_193 : vector<256x1xf32> to vector<256x4096xf32>
    %eq3A_195 = arith.cmpf oeq, %select_n3A_184, %eq3A_194 : vector<256x4096xf32>
    %jit3A_196 = arith.constant 4096 : i32
    %broadcast_in_dim3A_197 = vector.broadcast %jit3A_196 : i32 to vector<256x4096xi32>
    %select_n3A_198 = arith.select %eq3A_195, %iota3A, %broadcast_in_dim3A_197 : vector<256x4096xi1>, vector<256x4096xi32>
    %reduce_min3A_199 = arith.constant dense<2147483647> : vector<256xi32>
    %reduce_min3A_200 = vector.multi_reduction <minsi>, %select_n3A_198, %reduce_min3A_199 [1] : vector<256x4096xi32> to vector<256xi32>
    %broadcast_in_dim3A_201 = vector.shape_cast %reduce_min3A_200 : vector<256xi32> to vector<256x1xi32>
    %eq3A_202 = vector.broadcast %broadcast_in_dim3A_201 : vector<256x1xi32> to vector<256x4096xi32>
    %eq3A_203 = arith.cmpi eq, %iota3A, %eq3A_202 : vector<256x4096xi32>
    %jit3A_204 = arith.constant 0x7F800000 : f32
    %broadcast_in_dim3A_205 = vector.broadcast %jit3A_204 : f32 to vector<256x4096xf32>
    %select_n3A_206 = arith.select %eq3A_203, %broadcast_in_dim3A_205, %select_n3A_184 : vector<256x4096xi1>, vector<256x4096xf32>
    %swap3A_207 = arith.constant 0 : index
    %swap3A_208 = arith.constant 0 : index
    %swap3A_209 = arith.constant 8 : index
    %swap3A_210 = vector.load %arg4[%swap3A_207, %swap3A_208, %swap3A_209] : memref<1x256x16xi32, #tpu.memory_space<vmem>>, vector<1x256x1xi32>
    %swap3A_211 = vector.shape_cast %swap3A_210 : vector<1x256x1xi32> to vector<256x1xi32>
    %swap3A_212 = vector.shape_cast %broadcast_in_dim3A_201 : vector<256x1xi32> to vector<1x256x1xi32>
    tpu.vector_store %arg4[%swap3A_207, %swap3A_208, %swap3A_209], %swap3A_212 {strides = array<i32>} : memref<1x256x16xi32, #tpu.memory_space<vmem>>, vector<1x256x1xi32>,
    %reduce_min3A_213 = arith.constant dense<0x7F800000> : vector<256xf32>
    %reduce_min3A_214 = vector.multi_reduction <minimumf>, %select_n3A_206, %reduce_min3A_213 [1] : vector<256x4096xf32> to vector<256xf32>
    %broadcast_in_dim3A_215 = vector.shape_cast %reduce_min3A_214 : vector<256xf32> to vector<256x1xf32>
    %eq3A_216 = vector.broadcast %broadcast_in_dim3A_215 : vector<256x1xf32> to vector<256x4096xf32>
    %eq3A_217 = arith.cmpf oeq, %select_n3A_206, %eq3A_216 : vector<256x4096xf32>
    %jit3A_218 = arith.constant 4096 : i32
    %broadcast_in_dim3A_219 = vector.broadcast %jit3A_218 : i32 to vector<256x4096xi32>
    %select_n3A_220 = arith.select %eq3A_217, %iota3A, %broadcast_in_dim3A_219 : vector<256x4096xi1>, vector<256x4096xi32>
    %reduce_min3A_221 = arith.constant dense<2147483647> : vector<256xi32>
    %reduce_min3A_222 = vector.multi_reduction <minsi>, %select_n3A_220, %reduce_min3A_221 [1] : vector<256x4096xi32> to vector<256xi32>
    %broadcast_in_dim3A_223 = vector.shape_cast %reduce_min3A_222 : vector<256xi32> to vector<256x1xi32>
    %eq3A_224 = vector.broadcast %broadcast_in_dim3A_223 : vector<256x1xi32> to vector<256x4096xi32>
    %eq3A_225 = arith.cmpi eq, %iota3A, %eq3A_224 : vector<256x4096xi32>
    %jit3A_226 = arith.constant 0x7F800000 : f32
    %broadcast_in_dim3A_227 = vector.broadcast %jit3A_226 : f32 to vector<256x4096xf32>
    %select_n3A_228 = arith.select %eq3A_225, %broadcast_in_dim3A_227, %select_n3A_206 : vector<256x4096xi1>, vector<256x4096xf32>
    %swap3A_229 = arith.constant 0 : index
    %swap3A_230 = arith.constant 0 : index
    %swap3A_231 = arith.constant 9 : index
    %swap3A_232 = vector.load %arg4[%swap3A_229, %swap3A_230, %swap3A_231] : memref<1x256x16xi32, #tpu.memory_space<vmem>>, vector<1x256x1xi32>
    %swap3A_233 = vector.shape_cast %swap3A_232 : vector<1x256x1xi32> to vector<256x1xi32>
    %swap3A_234 = vector.shape_cast %broadcast_in_dim3A_223 : vector<256x1xi32> to vector<1x256x1xi32>
    tpu.vector_store %arg4[%swap3A_229, %swap3A_230, %swap3A_231], %swap3A_234 {strides = array<i32>} : memref<1x256x16xi32, #tpu.memory_space<vmem>>, vector<1x256x1xi32>,
    %reduce_min3A_235 = arith.constant dense<0x7F800000> : vector<256xf32>
    %reduce_min3A_236 = vector.multi_reduction <minimumf>, %select_n3A_228, %reduce_min3A_235 [1] : vector<256x4096xf32> to vector<256xf32>
    %broadcast_in_dim3A_237 = vector.shape_cast %reduce_min3A_236 : vector<256xf32> to vector<256x1xf32>
    %eq3A_238 = vector.broadcast %broadcast_in_dim3A_237 : vector<256x1xf32> to vector<256x4096xf32>
    %eq3A_239 = arith.cmpf oeq, %select_n3A_228, %eq3A_238 : vector<256x4096xf32>
    %jit3A_240 = arith.constant 4096 : i32
    %broadcast_in_dim3A_241 = vector.broadcast %jit3A_240 : i32 to vector<256x4096xi32>
    %select_n3A_242 = arith.select %eq3A_239, %iota3A, %broadcast_in_dim3A_241 : vector<256x4096xi1>, vector<256x4096xi32>
    %reduce_min3A_243 = arith.constant dense<2147483647> : vector<256xi32>
    %reduce_min3A_244 = vector.multi_reduction <minsi>, %select_n3A_242, %reduce_min3A_243 [1] : vector<256x4096xi32> to vector<256xi32>
    %broadcast_in_dim3A_245 = vector.shape_cast %reduce_min3A_244 : vector<256xi32> to vector<256x1xi32>
    %eq3A_246 = vector.broadcast %broadcast_in_dim3A_245 : vector<256x1xi32> to vector<256x4096xi32>
    %eq3A_247 = arith.cmpi eq, %iota3A, %eq3A_246 : vector<256x4096xi32>
    %jit3A_248 = arith.constant 0x7F800000 : f32
    %broadcast_in_dim3A_249 = vector.broadcast %jit3A_248 : f32 to vector<256x4096xf32>
    %select_n3A_250 = arith.select %eq3A_247, %broadcast_in_dim3A_249, %select_n3A_228 : vector<256x4096xi1>, vector<256x4096xf32>
    %swap3A_251 = arith.constant 0 : index
    %swap3A_252 = arith.constant 0 : index
    %swap3A_253 = arith.constant 10 : index
    %swap3A_254 = vector.load %arg4[%swap3A_251, %swap3A_252, %swap3A_253] : memref<1x256x16xi32, #tpu.memory_space<vmem>>, vector<1x256x1xi32>
    %swap3A_255 = vector.shape_cast %swap3A_254 : vector<1x256x1xi32> to vector<256x1xi32>
    %swap3A_256 = vector.shape_cast %broadcast_in_dim3A_245 : vector<256x1xi32> to vector<1x256x1xi32>
    tpu.vector_store %arg4[%swap3A_251, %swap3A_252, %swap3A_253], %swap3A_256 {strides = array<i32>} : memref<1x256x16xi32, #tpu.memory_space<vmem>>, vector<1x256x1xi32>,
    %reduce_min3A_257 = arith.constant dense<0x7F800000> : vector<256xf32>
    %reduce_min3A_258 = vector.multi_reduction <minimumf>, %select_n3A_250, %reduce_min3A_257 [1] : vector<256x4096xf32> to vector<256xf32>
    %broadcast_in_dim3A_259 = vector.shape_cast %reduce_min3A_258 : vector<256xf32> to vector<256x1xf32>
    %eq3A_260 = vector.broadcast %broadcast_in_dim3A_259 : vector<256x1xf32> to vector<256x4096xf32>
    %eq3A_261 = arith.cmpf oeq, %select_n3A_250, %eq3A_260 : vector<256x4096xf32>
    %jit3A_262 = arith.constant 4096 : i32
    %broadcast_in_dim3A_263 = vector.broadcast %jit3A_262 : i32 to vector<256x4096xi32>
    %select_n3A_264 = arith.select %eq3A_261, %iota3A, %broadcast_in_dim3A_263 : vector<256x4096xi1>, vector<256x4096xi32>
    %reduce_min3A_265 = arith.constant dense<2147483647> : vector<256xi32>
    %reduce_min3A_266 = vector.multi_reduction <minsi>, %select_n3A_264, %reduce_min3A_265 [1] : vector<256x4096xi32> to vector<256xi32>
    %broadcast_in_dim3A_267 = vector.shape_cast %reduce_min3A_266 : vector<256xi32> to vector<256x1xi32>
    %eq3A_268 = vector.broadcast %broadcast_in_dim3A_267 : vector<256x1xi32> to vector<256x4096xi32>
    %eq3A_269 = arith.cmpi eq, %iota3A, %eq3A_268 : vector<256x4096xi32>
    %jit3A_270 = arith.constant 0x7F800000 : f32
    %broadcast_in_dim3A_271 = vector.broadcast %jit3A_270 : f32 to vector<256x4096xf32>
    %select_n3A_272 = arith.select %eq3A_269, %broadcast_in_dim3A_271, %select_n3A_250 : vector<256x4096xi1>, vector<256x4096xf32>
    %swap3A_273 = arith.constant 0 : index
    %swap3A_274 = arith.constant 0 : index
    %swap3A_275 = arith.constant 11 : index
    %swap3A_276 = vector.load %arg4[%swap3A_273, %swap3A_274, %swap3A_275] : memref<1x256x16xi32, #tpu.memory_space<vmem>>, vector<1x256x1xi32>
    %swap3A_277 = vector.shape_cast %swap3A_276 : vector<1x256x1xi32> to vector<256x1xi32>
    %swap3A_278 = vector.shape_cast %broadcast_in_dim3A_267 : vector<256x1xi32> to vector<1x256x1xi32>
    tpu.vector_store %arg4[%swap3A_273, %swap3A_274, %swap3A_275], %swap3A_278 {strides = array<i32>} : memref<1x256x16xi32, #tpu.memory_space<vmem>>, vector<1x256x1xi32>,
    %reduce_min3A_279 = arith.constant dense<0x7F800000> : vector<256xf32>
    %reduce_min3A_280 = vector.multi_reduction <minimumf>, %select_n3A_272, %reduce_min3A_279 [1] : vector<256x4096xf32> to vector<256xf32>
    %broadcast_in_dim3A_281 = vector.shape_cast %reduce_min3A_280 : vector<256xf32> to vector<256x1xf32>
    %eq3A_282 = vector.broadcast %broadcast_in_dim3A_281 : vector<256x1xf32> to vector<256x4096xf32>
    %eq3A_283 = arith.cmpf oeq, %select_n3A_272, %eq3A_282 : vector<256x4096xf32>
    %jit3A_284 = arith.constant 4096 : i32
    %broadcast_in_dim3A_285 = vector.broadcast %jit3A_284 : i32 to vector<256x4096xi32>
    %select_n3A_286 = arith.select %eq3A_283, %iota3A, %broadcast_in_dim3A_285 : vector<256x4096xi1>, vector<256x4096xi32>
    %reduce_min3A_287 = arith.constant dense<2147483647> : vector<256xi32>
    %reduce_min3A_288 = vector.multi_reduction <minsi>, %select_n3A_286, %reduce_min3A_287 [1] : vector<256x4096xi32> to vector<256xi32>
    %broadcast_in_dim3A_289 = vector.shape_cast %reduce_min3A_288 : vector<256xi32> to vector<256x1xi32>
    %eq3A_290 = vector.broadcast %broadcast_in_dim3A_289 : vector<256x1xi32> to vector<256x4096xi32>
    %eq3A_291 = arith.cmpi eq, %iota3A, %eq3A_290 : vector<256x4096xi32>
    %jit3A_292 = arith.constant 0x7F800000 : f32
    %broadcast_in_dim3A_293 = vector.broadcast %jit3A_292 : f32 to vector<256x4096xf32>
    %select_n3A_294 = arith.select %eq3A_291, %broadcast_in_dim3A_293, %select_n3A_272 : vector<256x4096xi1>, vector<256x4096xf32>
    %swap3A_295 = arith.constant 0 : index
    %swap3A_296 = arith.constant 0 : index
    %swap3A_297 = arith.constant 12 : index
    %swap3A_298 = vector.load %arg4[%swap3A_295, %swap3A_296, %swap3A_297] : memref<1x256x16xi32, #tpu.memory_space<vmem>>, vector<1x256x1xi32>
    %swap3A_299 = vector.shape_cast %swap3A_298 : vector<1x256x1xi32> to vector<256x1xi32>
    %swap3A_300 = vector.shape_cast %broadcast_in_dim3A_289 : vector<256x1xi32> to vector<1x256x1xi32>
    tpu.vector_store %arg4[%swap3A_295, %swap3A_296, %swap3A_297], %swap3A_300 {strides = array<i32>} : memref<1x256x16xi32, #tpu.memory_space<vmem>>, vector<1x256x1xi32>,
    %reduce_min3A_301 = arith.constant dense<0x7F800000> : vector<256xf32>
    %reduce_min3A_302 = vector.multi_reduction <minimumf>, %select_n3A_294, %reduce_min3A_301 [1] : vector<256x4096xf32> to vector<256xf32>
    %broadcast_in_dim3A_303 = vector.shape_cast %reduce_min3A_302 : vector<256xf32> to vector<256x1xf32>
    %eq3A_304 = vector.broadcast %broadcast_in_dim3A_303 : vector<256x1xf32> to vector<256x4096xf32>
    %eq3A_305 = arith.cmpf oeq, %select_n3A_294, %eq3A_304 : vector<256x4096xf32>
    %jit3A_306 = arith.constant 4096 : i32
    %broadcast_in_dim3A_307 = vector.broadcast %jit3A_306 : i32 to vector<256x4096xi32>
    %select_n3A_308 = arith.select %eq3A_305, %iota3A, %broadcast_in_dim3A_307 : vector<256x4096xi1>, vector<256x4096xi32>
    %reduce_min3A_309 = arith.constant dense<2147483647> : vector<256xi32>
    %reduce_min3A_310 = vector.multi_reduction <minsi>, %select_n3A_308, %reduce_min3A_309 [1] : vector<256x4096xi32> to vector<256xi32>
    %broadcast_in_dim3A_311 = vector.shape_cast %reduce_min3A_310 : vector<256xi32> to vector<256x1xi32>
    %eq3A_312 = vector.broadcast %broadcast_in_dim3A_311 : vector<256x1xi32> to vector<256x4096xi32>
    %eq3A_313 = arith.cmpi eq, %iota3A, %eq3A_312 : vector<256x4096xi32>
    %jit3A_314 = arith.constant 0x7F800000 : f32
    %broadcast_in_dim3A_315 = vector.broadcast %jit3A_314 : f32 to vector<256x4096xf32>
    %select_n3A_316 = arith.select %eq3A_313, %broadcast_in_dim3A_315, %select_n3A_294 : vector<256x4096xi1>, vector<256x4096xf32>
    %swap3A_317 = arith.constant 0 : index
    %swap3A_318 = arith.constant 0 : index
    %swap3A_319 = arith.constant 13 : index
    %swap3A_320 = vector.load %arg4[%swap3A_317, %swap3A_318, %swap3A_319] : memref<1x256x16xi32, #tpu.memory_space<vmem>>, vector<1x256x1xi32>
    %swap3A_321 = vector.shape_cast %swap3A_320 : vector<1x256x1xi32> to vector<256x1xi32>
    %swap3A_322 = vector.shape_cast %broadcast_in_dim3A_311 : vector<256x1xi32> to vector<1x256x1xi32>
    tpu.vector_store %arg4[%swap3A_317, %swap3A_318, %swap3A_319], %swap3A_322 {strides = array<i32>} : memref<1x256x16xi32, #tpu.memory_space<vmem>>, vector<1x256x1xi32>,
    %reduce_min3A_323 = arith.constant dense<0x7F800000> : vector<256xf32>
    %reduce_min3A_324 = vector.multi_reduction <minimumf>, %select_n3A_316, %reduce_min3A_323 [1] : vector<256x4096xf32> to vector<256xf32>
    %broadcast_in_dim3A_325 = vector.shape_cast %reduce_min3A_324 : vector<256xf32> to vector<256x1xf32>
    %eq3A_326 = vector.broadcast %broadcast_in_dim3A_325 : vector<256x1xf32> to vector<256x4096xf32>
    %eq3A_327 = arith.cmpf oeq, %select_n3A_316, %eq3A_326 : vector<256x4096xf32>
    %jit3A_328 = arith.constant 4096 : i32
    %broadcast_in_dim3A_329 = vector.broadcast %jit3A_328 : i32 to vector<256x4096xi32>
    %select_n3A_330 = arith.select %eq3A_327, %iota3A, %broadcast_in_dim3A_329 : vector<256x4096xi1>, vector<256x4096xi32>
    %reduce_min3A_331 = arith.constant dense<2147483647> : vector<256xi32>
    %reduce_min3A_332 = vector.multi_reduction <minsi>, %select_n3A_330, %reduce_min3A_331 [1] : vector<256x4096xi32> to vector<256xi32>
    %broadcast_in_dim3A_333 = vector.shape_cast %reduce_min3A_332 : vector<256xi32> to vector<256x1xi32>
    %eq3A_334 = vector.broadcast %broadcast_in_dim3A_333 : vector<256x1xi32> to vector<256x4096xi32>
    %eq3A_335 = arith.cmpi eq, %iota3A, %eq3A_334 : vector<256x4096xi32>
    %jit3A_336 = arith.constant 0x7F800000 : f32
    %broadcast_in_dim3A_337 = vector.broadcast %jit3A_336 : f32 to vector<256x4096xf32>
    %select_n3A_338 = arith.select %eq3A_335, %broadcast_in_dim3A_337, %select_n3A_316 : vector<256x4096xi1>, vector<256x4096xf32>
    %swap3A_339 = arith.constant 0 : index
    %swap3A_340 = arith.constant 0 : index
    %swap3A_341 = arith.constant 14 : index
    %swap3A_342 = vector.load %arg4[%swap3A_339, %swap3A_340, %swap3A_341] : memref<1x256x16xi32, #tpu.memory_space<vmem>>, vector<1x256x1xi32>
    %swap3A_343 = vector.shape_cast %swap3A_342 : vector<1x256x1xi32> to vector<256x1xi32>
    %swap3A_344 = vector.shape_cast %broadcast_in_dim3A_333 : vector<256x1xi32> to vector<1x256x1xi32>
    tpu.vector_store %arg4[%swap3A_339, %swap3A_340, %swap3A_341], %swap3A_344 {strides = array<i32>} : memref<1x256x16xi32, #tpu.memory_space<vmem>>, vector<1x256x1xi32>,
    %reduce_min3A_345 = arith.constant dense<0x7F800000> : vector<256xf32>
    %reduce_min3A_346 = vector.multi_reduction <minimumf>, %select_n3A_338, %reduce_min3A_345 [1] : vector<256x4096xf32> to vector<256xf32>
    %broadcast_in_dim3A_347 = vector.shape_cast %reduce_min3A_346 : vector<256xf32> to vector<256x1xf32>
    %eq3A_348 = vector.broadcast %broadcast_in_dim3A_347 : vector<256x1xf32> to vector<256x4096xf32>
    %eq3A_349 = arith.cmpf oeq, %select_n3A_338, %eq3A_348 : vector<256x4096xf32>
    %jit3A_350 = arith.constant 4096 : i32
    %broadcast_in_dim3A_351 = vector.broadcast %jit3A_350 : i32 to vector<256x4096xi32>
    %select_n3A_352 = arith.select %eq3A_349, %iota3A, %broadcast_in_dim3A_351 : vector<256x4096xi1>, vector<256x4096xi32>
    %reduce_min3A_353 = arith.constant dense<2147483647> : vector<256xi32>
    %reduce_min3A_354 = vector.multi_reduction <minsi>, %select_n3A_352, %reduce_min3A_353 [1] : vector<256x4096xi32> to vector<256xi32>
    %broadcast_in_dim3A_355 = vector.shape_cast %reduce_min3A_354 : vector<256xi32> to vector<256x1xi32>
    %swap3A_356 = arith.constant 0 : index
    %swap3A_357 = arith.constant 0 : index
    %swap3A_358 = arith.constant 15 : index
    %swap3A_359 = vector.load %arg4[%swap3A_356, %swap3A_357, %swap3A_358] : memref<1x256x16xi32, #tpu.memory_space<vmem>>, vector<1x256x1xi32>
    %swap3A_360 = vector.shape_cast %swap3A_359 : vector<1x256x1xi32> to vector<256x1xi32>
    %swap3A_361 = vector.shape_cast %broadcast_in_dim3A_355 : vector<256x1xi32> to vector<1x256x1xi32>
    tpu.vector_store %arg4[%swap3A_356, %swap3A_357, %swap3A_358], %swap3A_361 {strides = array<i32>} : memref<1x256x16xi32, #tpu.memory_space<vmem>>, vector<1x256x1xi32>,
    return
  }
  func.func @transform_0(%arg0: i32, %arg1: i32) -> (i32, i32, i32) {
    %c0_i32 = arith.constant 0 : i32
    %c0_i32_0 = arith.constant 0 : i32
    return %arg0, %arg1, %c0_i32 : i32, i32, i32
  }
  func.func @transform_1(%arg0: i32, %arg1: i32) -> (i32, i32, i32) {
    %c0_i32 = arith.constant 0 : i32
    %c0_i32_0 = arith.constant 0 : i32
    %c0_i32_1 = arith.constant 0 : i32
    return %arg0, %c0_i32, %c0_i32_0 : i32, i32, i32
  }
  func.func @transform_2(%arg0: i32, %arg1: i32) -> (i32, i32, i32) {
    %c0_i32 = arith.constant 0 : i32
    %c0_i32_0 = arith.constant 0 : i32
    return %arg0, %arg1, %c0_i32 : i32, i32, i32
  }
}

module attributes {stable_mosaic.version = 14 : i64} {
  func.func @_fps_body(%arg0: memref<16x3x4096xf32, #tpu.memory_space<vmem>>, %arg1: memref<16x3x1024xf32, #tpu.memory_space<vmem>>) attributes {dimension_semantics = [], scalar_prefetch = 0 : i64, scratch_operands = 0 : i64, tpu.core_type = #tpu.core_type<tc>} {
    %get3A = arith.constant 0 : index
    %get3A_0 = arith.constant 0 : index
    %get3A_1 = arith.constant 0 : index
    %get3A_2 = vector.load %arg0[%get3A, %get3A_0, %get3A_1] : memref<16x3x4096xf32, #tpu.memory_space<vmem>>, vector<16x1x4096xf32>
    %get3A_3 = vector.shape_cast %get3A_2 : vector<16x1x4096xf32> to vector<16x4096xf32>
    %get3A_4 = arith.constant 0 : index
    %get3A_5 = arith.constant 1 : index
    %get3A_6 = arith.constant 0 : index
    %get3A_7 = vector.load %arg0[%get3A_4, %get3A_5, %get3A_6] : memref<16x3x4096xf32, #tpu.memory_space<vmem>>, vector<16x1x4096xf32>
    %get3A_8 = vector.shape_cast %get3A_7 : vector<16x1x4096xf32> to vector<16x4096xf32>
    %get3A_9 = arith.constant 0 : index
    %get3A_10 = arith.constant 2 : index
    %get3A_11 = arith.constant 0 : index
    %get3A_12 = vector.load %arg0[%get3A_9, %get3A_10, %get3A_11] : memref<16x3x4096xf32, #tpu.memory_space<vmem>>, vector<16x1x4096xf32>
    %get3A_13 = vector.shape_cast %get3A_12 : vector<16x1x4096xf32> to vector<16x4096xf32>
    %iota3A = tpu.iota {dimensions = array<i32: 1>} : vector<16x4096xi32>
    %iota3A_14 = tpu.iota {dimensions = array<i32: 1>} : vector<16x1024xi32>
    %eq3A = arith.constant 0 : i32
    %eq3A_15 = vector.broadcast %eq3A : i32 to vector<16x4096xi32>
    %eq3A_16 = arith.cmpi eq, %iota3A, %eq3A_15 : vector<16x4096xi32>
    %jit3A = arith.constant 0.000000e+00 : f32
    %broadcast_in_dim3A = vector.broadcast %jit3A : f32 to vector<16x4096xf32>
    %select_n3A = arith.select %eq3A_16, %get3A_3, %broadcast_in_dim3A : vector<16x4096xi1>, vector<16x4096xf32>
    %reduce_sum3A = arith.constant dense<0.000000e+00> : vector<16xf32>
    %reduce_sum3A_17 = vector.multi_reduction <add>, %select_n3A, %reduce_sum3A [1] : vector<16x4096xf32> to vector<16xf32>
    %broadcast_in_dim3A_18 = vector.shape_cast %reduce_sum3A_17 : vector<16xf32> to vector<16x1xf32>
    %jit3A_19 = arith.constant 0.000000e+00 : f32
    %broadcast_in_dim3A_20 = vector.broadcast %jit3A_19 : f32 to vector<16x4096xf32>
    %select_n3A_21 = arith.select %eq3A_16, %get3A_8, %broadcast_in_dim3A_20 : vector<16x4096xi1>, vector<16x4096xf32>
    %reduce_sum3A_22 = arith.constant dense<0.000000e+00> : vector<16xf32>
    %reduce_sum3A_23 = vector.multi_reduction <add>, %select_n3A_21, %reduce_sum3A_22 [1] : vector<16x4096xf32> to vector<16xf32>
    %broadcast_in_dim3A_24 = vector.shape_cast %reduce_sum3A_23 : vector<16xf32> to vector<16x1xf32>
    %jit3A_25 = arith.constant 0.000000e+00 : f32
    %broadcast_in_dim3A_26 = vector.broadcast %jit3A_25 : f32 to vector<16x4096xf32>
    %select_n3A_27 = arith.select %eq3A_16, %get3A_13, %broadcast_in_dim3A_26 : vector<16x4096xi1>, vector<16x4096xf32>
    %reduce_sum3A_28 = arith.constant dense<0.000000e+00> : vector<16xf32>
    %reduce_sum3A_29 = vector.multi_reduction <add>, %select_n3A_27, %reduce_sum3A_28 [1] : vector<16x4096xf32> to vector<16xf32>
    %broadcast_in_dim3A_30 = vector.shape_cast %reduce_sum3A_29 : vector<16xf32> to vector<16x1xf32>
    %eq3A_31 = arith.constant 0 : i32
    %eq3A_32 = vector.broadcast %eq3A_31 : i32 to vector<16x1024xi32>
    %eq3A_33 = arith.cmpi eq, %iota3A_14, %eq3A_32 : vector<16x1024xi32>
    %jit3A_34 = arith.constant 0.000000e+00 : f32
    %broadcast_in_dim3A_35 = vector.shape_cast %broadcast_in_dim3A_18 : vector<16x1xf32> to vector<16x1xf32>
    %broadcast_in_dim3A_36 = vector.broadcast %broadcast_in_dim3A_35 : vector<16x1xf32> to vector<16x1024xf32>
    %broadcast_in_dim3A_37 = vector.broadcast %jit3A_34 : f32 to vector<16x1024xf32>
    %select_n3A_38 = arith.select %eq3A_33, %broadcast_in_dim3A_36, %broadcast_in_dim3A_37 : vector<16x1024xi1>, vector<16x1024xf32>
    %jit3A_39 = arith.constant 0.000000e+00 : f32
    %broadcast_in_dim3A_40 = vector.shape_cast %broadcast_in_dim3A_24 : vector<16x1xf32> to vector<16x1xf32>
    %broadcast_in_dim3A_41 = vector.broadcast %broadcast_in_dim3A_40 : vector<16x1xf32> to vector<16x1024xf32>
    %broadcast_in_dim3A_42 = vector.broadcast %jit3A_39 : f32 to vector<16x1024xf32>
    %select_n3A_43 = arith.select %eq3A_33, %broadcast_in_dim3A_41, %broadcast_in_dim3A_42 : vector<16x1024xi1>, vector<16x1024xf32>
    %jit3A_44 = arith.constant 0.000000e+00 : f32
    %broadcast_in_dim3A_45 = vector.shape_cast %broadcast_in_dim3A_30 : vector<16x1xf32> to vector<16x1xf32>
    %broadcast_in_dim3A_46 = vector.broadcast %broadcast_in_dim3A_45 : vector<16x1xf32> to vector<16x1024xf32>
    %broadcast_in_dim3A_47 = vector.broadcast %jit3A_44 : f32 to vector<16x1024xf32>
    %select_n3A_48 = arith.select %eq3A_33, %broadcast_in_dim3A_46, %broadcast_in_dim3A_47 : vector<16x1024xi1>, vector<16x1024xf32>
    %broadcast_in_dim3A_49 = arith.constant 0x7F800000 : f32
    %broadcast_in_dim3A_50 = vector.broadcast %broadcast_in_dim3A_49 : f32 to vector<16x4096xf32>
    %scan3A = arith.constant 1 : i32
    %scan3A_51 = arith.constant 1023 : i32
    %scan3A_52 = arith.addi %scan3A, %scan3A_51 : i32
    %scan3A_53 = arith.constant 1 : i32
    %scan3A_54:7 = scf.for %scan3A_73 = %scan3A to %scan3A_52 step %scan3A_53 iter_args(%scan3A_74 = %broadcast_in_dim3A_50, %scan3A_75 = %broadcast_in_dim3A_18, %scan3A_76 = %broadcast_in_dim3A_24, %scan3A_77 = %broadcast_in_dim3A_30, %scan3A_78 = %select_n3A_38, %scan3A_79 = %select_n3A_43, %scan3A_80 = %select_n3A_48) -> (vector<16x4096xf32>, vector<16x1xf32>, vector<16x1xf32>, vector<16x1xf32>, vector<16x1024xf32>, vector<16x1024xf32>, vector<16x1024xf32>)  : i32 {
      %sub3A = vector.broadcast %scan3A_75 : vector<16x1xf32> to vector<16x4096xf32>
      %sub3A_81 = arith.subf %get3A_3, %sub3A : vector<16x4096xf32>
      %integer_pow3A = arith.mulf %sub3A_81, %sub3A_81 : vector<16x4096xf32>
      %sub3A_82 = vector.broadcast %scan3A_76 : vector<16x1xf32> to vector<16x4096xf32>
      %sub3A_83 = arith.subf %get3A_8, %sub3A_82 : vector<16x4096xf32>
      %integer_pow3A_84 = arith.mulf %sub3A_83, %sub3A_83 : vector<16x4096xf32>
      %add3A = arith.addf %integer_pow3A, %integer_pow3A_84 : vector<16x4096xf32>
      %sub3A_85 = vector.broadcast %scan3A_77 : vector<16x1xf32> to vector<16x4096xf32>
      %sub3A_86 = arith.subf %get3A_13, %sub3A_85 : vector<16x4096xf32>
      %integer_pow3A_87 = arith.mulf %sub3A_86, %sub3A_86 : vector<16x4096xf32>
      %add3A_88 = arith.addf %add3A, %integer_pow3A_87 : vector<16x4096xf32>
      %min3A = arith.minimumf %scan3A_74, %add3A_88 : vector<16x4096xf32>
      %reduce_max3A = arith.constant dense<0xFF800000> : vector<16xf32>
      %reduce_max3A_89 = vector.multi_reduction <maximumf>, %min3A, %reduce_max3A [1] : vector<16x4096xf32> to vector<16xf32>
      %broadcast_in_dim3A_90 = vector.shape_cast %reduce_max3A_89 : vector<16xf32> to vector<16x1xf32>
      %eq3A_91 = vector.broadcast %broadcast_in_dim3A_90 : vector<16x1xf32> to vector<16x4096xf32>
      %eq3A_92 = arith.cmpf oeq, %min3A, %eq3A_91 : vector<16x4096xf32>
      %jit3A_93 = arith.constant 4096 : i32
      %broadcast_in_dim3A_94 = vector.broadcast %jit3A_93 : i32 to vector<16x4096xi32>
      %select_n3A_95 = arith.select %eq3A_92, %iota3A, %broadcast_in_dim3A_94 : vector<16x4096xi1>, vector<16x4096xi32>
      %reduce_min3A = arith.constant dense<2147483647> : vector<16xi32>
      %reduce_min3A_96 = vector.multi_reduction <minsi>, %select_n3A_95, %reduce_min3A [1] : vector<16x4096xi32> to vector<16xi32>
      %broadcast_in_dim3A_97 = vector.shape_cast %reduce_min3A_96 : vector<16xi32> to vector<16x1xi32>
      %eq3A_98 = vector.broadcast %broadcast_in_dim3A_97 : vector<16x1xi32> to vector<16x4096xi32>
      %eq3A_99 = arith.cmpi eq, %iota3A, %eq3A_98 : vector<16x4096xi32>
      %jit3A_100 = arith.constant 0.000000e+00 : f32
      %broadcast_in_dim3A_101 = vector.broadcast %jit3A_100 : f32 to vector<16x4096xf32>
      %select_n3A_102 = arith.select %eq3A_99, %get3A_3, %broadcast_in_dim3A_101 : vector<16x4096xi1>, vector<16x4096xf32>
      %reduce_sum3A_103 = arith.constant dense<0.000000e+00> : vector<16xf32>
      %reduce_sum3A_104 = vector.multi_reduction <add>, %select_n3A_102, %reduce_sum3A_103 [1] : vector<16x4096xf32> to vector<16xf32>
      %broadcast_in_dim3A_105 = vector.shape_cast %reduce_sum3A_104 : vector<16xf32> to vector<16x1xf32>
      %jit3A_106 = arith.constant 0.000000e+00 : f32
      %broadcast_in_dim3A_107 = vector.broadcast %jit3A_106 : f32 to vector<16x4096xf32>
      %select_n3A_108 = arith.select %eq3A_99, %get3A_8, %broadcast_in_dim3A_107 : vector<16x4096xi1>, vector<16x4096xf32>
      %reduce_sum3A_109 = arith.constant dense<0.000000e+00> : vector<16xf32>
      %reduce_sum3A_110 = vector.multi_reduction <add>, %select_n3A_108, %reduce_sum3A_109 [1] : vector<16x4096xf32> to vector<16xf32>
      %broadcast_in_dim3A_111 = vector.shape_cast %reduce_sum3A_110 : vector<16xf32> to vector<16x1xf32>
      %jit3A_112 = arith.constant 0.000000e+00 : f32
      %broadcast_in_dim3A_113 = vector.broadcast %jit3A_112 : f32 to vector<16x4096xf32>
      %select_n3A_114 = arith.select %eq3A_99, %get3A_13, %broadcast_in_dim3A_113 : vector<16x4096xi1>, vector<16x4096xf32>
      %reduce_sum3A_115 = arith.constant dense<0.000000e+00> : vector<16xf32>
      %reduce_sum3A_116 = vector.multi_reduction <add>, %select_n3A_114, %reduce_sum3A_115 [1] : vector<16x4096xf32> to vector<16xf32>
      %broadcast_in_dim3A_117 = vector.shape_cast %reduce_sum3A_116 : vector<16xf32> to vector<16x1xf32>
      %eq3A_118 = vector.broadcast %scan3A_73 : i32 to vector<16x1024xi32>
      %eq3A_119 = arith.cmpi eq, %iota3A_14, %eq3A_118 : vector<16x1024xi32>
      %broadcast_in_dim3A_120 = vector.shape_cast %broadcast_in_dim3A_105 : vector<16x1xf32> to vector<16x1xf32>
      %broadcast_in_dim3A_121 = vector.broadcast %broadcast_in_dim3A_120 : vector<16x1xf32> to vector<16x1024xf32>
      %select_n3A_122 = arith.select %eq3A_119, %broadcast_in_dim3A_121, %scan3A_78 : vector<16x1024xi1>, vector<16x1024xf32>
      %broadcast_in_dim3A_123 = vector.shape_cast %broadcast_in_dim3A_111 : vector<16x1xf32> to vector<16x1xf32>
      %broadcast_in_dim3A_124 = vector.broadcast %broadcast_in_dim3A_123 : vector<16x1xf32> to vector<16x1024xf32>
      %select_n3A_125 = arith.select %eq3A_119, %broadcast_in_dim3A_124, %scan3A_79 : vector<16x1024xi1>, vector<16x1024xf32>
      %broadcast_in_dim3A_126 = vector.shape_cast %broadcast_in_dim3A_117 : vector<16x1xf32> to vector<16x1xf32>
      %broadcast_in_dim3A_127 = vector.broadcast %broadcast_in_dim3A_126 : vector<16x1xf32> to vector<16x1024xf32>
      %select_n3A_128 = arith.select %eq3A_119, %broadcast_in_dim3A_127, %scan3A_80 : vector<16x1024xi1>, vector<16x1024xf32>
      scf.yield %min3A, %broadcast_in_dim3A_105, %broadcast_in_dim3A_111, %broadcast_in_dim3A_117, %select_n3A_122, %select_n3A_125, %select_n3A_128 : vector<16x4096xf32>, vector<16x1xf32>, vector<16x1xf32>, vector<16x1xf32>, vector<16x1024xf32>, vector<16x1024xf32>, vector<16x1024xf32>
    }
    %scan3A_55 = arith.constant 1023 : i32
    %swap3A = arith.constant 0 : index
    %swap3A_56 = arith.constant 0 : index
    %swap3A_57 = arith.constant 0 : index
    %swap3A_58 = vector.load %arg1[%swap3A, %swap3A_56, %swap3A_57] : memref<16x3x1024xf32, #tpu.memory_space<vmem>>, vector<16x1x1024xf32>
    %swap3A_59 = vector.shape_cast %swap3A_58 : vector<16x1x1024xf32> to vector<16x1024xf32>
    %swap3A_60 = vector.shape_cast %scan3A_54#4 : vector<16x1024xf32> to vector<16x1x1024xf32>
    tpu.vector_store %arg1[%swap3A, %swap3A_56, %swap3A_57], %swap3A_60 {strides = array<i32>} : memref<16x3x1024xf32, #tpu.memory_space<vmem>>, vector<16x1x1024xf32>,
    %swap3A_61 = arith.constant 0 : index
    %swap3A_62 = arith.constant 1 : index
    %swap3A_63 = arith.constant 0 : index
    %swap3A_64 = vector.load %arg1[%swap3A_61, %swap3A_62, %swap3A_63] : memref<16x3x1024xf32, #tpu.memory_space<vmem>>, vector<16x1x1024xf32>
    %swap3A_65 = vector.shape_cast %swap3A_64 : vector<16x1x1024xf32> to vector<16x1024xf32>
    %swap3A_66 = vector.shape_cast %scan3A_54#5 : vector<16x1024xf32> to vector<16x1x1024xf32>
    tpu.vector_store %arg1[%swap3A_61, %swap3A_62, %swap3A_63], %swap3A_66 {strides = array<i32>} : memref<16x3x1024xf32, #tpu.memory_space<vmem>>, vector<16x1x1024xf32>,
    %swap3A_67 = arith.constant 0 : index
    %swap3A_68 = arith.constant 2 : index
    %swap3A_69 = arith.constant 0 : index
    %swap3A_70 = vector.load %arg1[%swap3A_67, %swap3A_68, %swap3A_69] : memref<16x3x1024xf32, #tpu.memory_space<vmem>>, vector<16x1x1024xf32>
    %swap3A_71 = vector.shape_cast %swap3A_70 : vector<16x1x1024xf32> to vector<16x1024xf32>
    %swap3A_72 = vector.shape_cast %scan3A_54#6 : vector<16x1024xf32> to vector<16x1x1024xf32>
    tpu.vector_store %arg1[%swap3A_67, %swap3A_68, %swap3A_69], %swap3A_72 {strides = array<i32>} : memref<16x3x1024xf32, #tpu.memory_space<vmem>>, vector<16x1x1024xf32>,
    return
  }
}

module attributes {stable_mosaic.version = 14 : i64} {
  func.func @_wx_body(%arg0: i32, %arg1: i32, %arg2: memref<1x1024x64xf32, #tpu.memory_space<vmem>>, %arg3: memref<64x128xf32, #tpu.memory_space<vmem>>, %arg4: memref<1x1024x128xf32, #tpu.memory_space<vmem>>) attributes {dimension_semantics = [#tpu.dimension_semantics<arbitrary>, #tpu.dimension_semantics<arbitrary>], iteration_bounds = array<i64: 16, 4>, scalar_prefetch = 0 : i64, scratch_operands = 0 : i64, tpu.core_type = #tpu.core_type<tc>, window_params = [{transform_indices = @transform_0, window_bounds = array<i64: 1, 1024, 64>}, {pipeline_mode = #tpu.pipeline_mode<synchronous>, transform_indices = @transform_1, window_bounds = array<i64: 64, 128>}, {transform_indices = @transform_2, window_bounds = array<i64: 1, 1024, 128>}]} {
    %get3A = arith.constant 0 : index
    %get3A_0 = arith.constant 0 : index
    %get3A_1 = arith.constant 0 : index
    %get3A_2 = vector.load %arg2[%get3A, %get3A_0, %get3A_1] : memref<1x1024x64xf32, #tpu.memory_space<vmem>>, vector<1x1024x64xf32>
    %get3A_3 = vector.shape_cast %get3A_2 : vector<1x1024x64xf32> to vector<1024x64xf32>
    %get3A_4 = arith.constant 0 : index
    %get3A_5 = arith.constant 0 : index
    %get3A_6 = vector.load %arg3[%get3A_4, %get3A_5] : memref<64x128xf32, #tpu.memory_space<vmem>>, vector<64x128xf32>
    %dot_general3A = arith.constant dense<0.000000e+00> : vector<1024x128xf32>
    %dot_general3A_7 = tpu.matmul %get3A_3, %get3A_6, %dot_general3A {dimension_numbers = #tpu.dot_dimension_numbers<[1], [0], [0], [1], [0, 0, 1, 1], [], []>, transpose_lhs_hint = false} : vector<1024x64xf32>, vector<64x128xf32>, vector<1024x128xf32> -> vector<1024x128xf32>
    %swap3A = arith.constant 0 : index
    %swap3A_8 = arith.constant 0 : index
    %swap3A_9 = arith.constant 0 : index
    %swap3A_10 = vector.load %arg4[%swap3A, %swap3A_8, %swap3A_9] : memref<1x1024x128xf32, #tpu.memory_space<vmem>>, vector<1x1024x128xf32>
    %swap3A_11 = vector.shape_cast %swap3A_10 : vector<1x1024x128xf32> to vector<1024x128xf32>
    %swap3A_12 = vector.shape_cast %dot_general3A_7 : vector<1024x128xf32> to vector<1x1024x128xf32>
    tpu.vector_store %arg4[%swap3A, %swap3A_8, %swap3A_9], %swap3A_12 {strides = array<i32>} : memref<1x1024x128xf32, #tpu.memory_space<vmem>>, vector<1x1024x128xf32>,
    return
  }
  func.func @transform_0(%arg0: i32, %arg1: i32) -> (i32, i32, i32) {
    %c0_i32 = arith.constant 0 : i32
    %c0_i32_0 = arith.constant 0 : i32
    return %arg0, %arg1, %c0_i32 : i32, i32, i32
  }
  func.func @transform_1(%arg0: i32, %arg1: i32) -> (i32, i32) {
    %c0_i32 = arith.constant 0 : i32
    %c0_i32_0 = arith.constant 0 : i32
    %c0_i32_1 = arith.constant 0 : i32
    return %c0_i32, %c0_i32_0 : i32, i32
  }
  func.func @transform_2(%arg0: i32, %arg1: i32) -> (i32, i32, i32) {
    %c0_i32 = arith.constant 0 : i32
    %c0_i32_0 = arith.constant 0 : i32
    return %arg0, %arg1, %c0_i32 : i32, i32, i32
  }
}

module attributes {stable_mosaic.version = 14 : i64} {
  func.func @_stats_body(%arg0: i32, %arg1: i32, %arg2: memref<1x2048x128xf32, #tpu.memory_space<vmem>>, %arg3: memref<2x128xf32, #tpu.memory_space<vmem>>) attributes {dimension_semantics = [#tpu.dimension_semantics<arbitrary>, #tpu.dimension_semantics<arbitrary>], iteration_bounds = array<i64: 16, 8>, scalar_prefetch = 0 : i64, scratch_operands = 0 : i64, tpu.core_type = #tpu.core_type<tc>, window_params = [{transform_indices = @transform_0, window_bounds = array<i64: 1, 2048, 128>}, {pipeline_mode = #tpu.pipeline_mode<synchronous>, transform_indices = @transform_1, window_bounds = array<i64: 2, 128>}]} {
    %get3A = arith.constant 0 : index
    %get3A_0 = arith.constant 0 : index
    %get3A_1 = arith.constant 0 : index
    %get3A_2 = vector.load %arg2[%get3A, %get3A_0, %get3A_1] : memref<1x2048x128xf32, #tpu.memory_space<vmem>>, vector<1x2048x128xf32>
    %get3A_3 = vector.shape_cast %get3A_2 : vector<1x2048x128xf32> to vector<2048x128xf32>
    %reduce_sum3A = arith.constant dense<0.000000e+00> : vector<128xf32>
    %reduce_sum3A_4 = vector.multi_reduction <add>, %get3A_3, %reduce_sum3A [0] : vector<2048x128xf32> to vector<128xf32>
    %broadcast_in_dim3A = vector.shape_cast %reduce_sum3A_4 : vector<128xf32> to vector<1x128xf32>
    %mul3A = arith.mulf %get3A_3, %get3A_3 : vector<2048x128xf32>
    %reduce_sum3A_5 = arith.constant dense<0.000000e+00> : vector<128xf32>
    %reduce_sum3A_6 = vector.multi_reduction <add>, %mul3A, %reduce_sum3A_5 [0] : vector<2048x128xf32> to vector<128xf32>
    %broadcast_in_dim3A_7 = vector.shape_cast %reduce_sum3A_6 : vector<128xf32> to vector<1x128xf32>
    %eq3A = arith.constant 0 : i32
    %eq3A_8 = arith.cmpi eq, %arg0, %eq3A : i32
    %eq3A_9 = arith.constant 0 : i32
    %eq3A_10 = arith.cmpi eq, %arg1, %eq3A_9 : i32
    %and3A = arith.andi %eq3A_8, %eq3A_10 : i1
    %convert_element_type3A = arith.extui %and3A : i1 to i32
    %cond3A = arith.constant 0 : i32
    %cond3A_11 = arith.cmpi ne, %convert_element_type3A, %cond3A : i32
    scf.if %cond3A_11 {
      %broadcast_in_dim3A_31 = arith.constant 0.000000e+00 : f32
      %broadcast_in_dim3A_32 = vector.broadcast %broadcast_in_dim3A_31 : f32 to vector<2x128xf32>
      %swap3A_33 = arith.constant 0 : index
      %swap3A_34 = arith.constant 0 : index
      %swap3A_35 = vector.load %arg3[%swap3A_33, %swap3A_34] : memref<2x128xf32, #tpu.memory_space<vmem>>, vector<2x128xf32>
      tpu.vector_store %arg3[%swap3A_33, %swap3A_34], %broadcast_in_dim3A_32 {strides = array<i32>} : memref<2x128xf32, #tpu.memory_space<vmem>>, vector<2x128xf32>,
    } else {
    }
    %get3A_12 = arith.constant 0 : index
    %get3A_13 = arith.constant 0 : index
    %get3A_14 = vector.load %arg3[%get3A_12, %get3A_13] : memref<2x128xf32, #tpu.memory_space<vmem>>, vector<1x128xf32>
    %get3A_15 = vector.shape_cast %get3A_14 : vector<1x128xf32> to vector<128xf32>
    %squeeze3A = vector.shape_cast %broadcast_in_dim3A : vector<1x128xf32> to vector<128xf32>
    %add3A = arith.addf %get3A_15, %squeeze3A : vector<128xf32>
    %swap3A = arith.constant 0 : index
    %swap3A_16 = arith.constant 0 : index
    %swap3A_17 = vector.load %arg3[%swap3A, %swap3A_16] : memref<2x128xf32, #tpu.memory_space<vmem>>, vector<1x128xf32>
    %swap3A_18 = vector.shape_cast %swap3A_17 : vector<1x128xf32> to vector<128xf32>
    %swap3A_19 = vector.shape_cast %add3A : vector<128xf32> to vector<1x128xf32>
    tpu.vector_store %arg3[%swap3A, %swap3A_16], %swap3A_19 {strides = array<i32>} : memref<2x128xf32, #tpu.memory_space<vmem>>, vector<1x128xf32>,
    %get3A_20 = arith.constant 1 : index
    %get3A_21 = arith.constant 0 : index
    %get3A_22 = vector.load %arg3[%get3A_20, %get3A_21] : memref<2x128xf32, #tpu.memory_space<vmem>>, vector<1x128xf32>
    %get3A_23 = vector.shape_cast %get3A_22 : vector<1x128xf32> to vector<128xf32>
    %squeeze3A_24 = vector.shape_cast %broadcast_in_dim3A_7 : vector<1x128xf32> to vector<128xf32>
    %add3A_25 = arith.addf %get3A_23, %squeeze3A_24 : vector<128xf32>
    %swap3A_26 = arith.constant 1 : index
    %swap3A_27 = arith.constant 0 : index
    %swap3A_28 = vector.load %arg3[%swap3A_26, %swap3A_27] : memref<2x128xf32, #tpu.memory_space<vmem>>, vector<1x128xf32>
    %swap3A_29 = vector.shape_cast %swap3A_28 : vector<1x128xf32> to vector<128xf32>
    %swap3A_30 = vector.shape_cast %add3A_25 : vector<128xf32> to vector<1x128xf32>
    tpu.vector_store %arg3[%swap3A_26, %swap3A_27], %swap3A_30 {strides = array<i32>} : memref<2x128xf32, #tpu.memory_space<vmem>>, vector<1x128xf32>,
    return
  }
  func.func @transform_0(%arg0: i32, %arg1: i32) -> (i32, i32, i32) {
    %c0_i32 = arith.constant 0 : i32
    %c0_i32_0 = arith.constant 0 : i32
    return %arg0, %arg1, %c0_i32 : i32, i32, i32
  }
  func.func @transform_1(%arg0: i32, %arg1: i32) -> (i32, i32) {
    %c0_i32 = arith.constant 0 : i32
    %c0_i32_0 = arith.constant 0 : i32
    %c0_i32_1 = arith.constant 0 : i32
    return %c0_i32, %c0_i32_0 : i32, i32
  }
}

module attributes {stable_mosaic.version = 14 : i64} {
  func.func @_fin_body(%arg0: i32, %arg1: i32, %arg2: memref<1x2048x128xf32, #tpu.memory_space<vmem>>, %arg3: memref<2x128xf32, #tpu.memory_space<vmem>>, %arg4: memref<1x128xf32, #tpu.memory_space<vmem>>, %arg5: memref<1x128xf32, #tpu.memory_space<vmem>>, %arg6: memref<1x2048x128xf32, #tpu.memory_space<vmem>>, %arg7: memref<1x128x3xf32, #tpu.memory_space<vmem>>, %arg8: memref<1x128x2048xf32, #tpu.memory_space<vmem>>, %arg9: memref<1x128x128xf32, #tpu.memory_space<vmem>>, %arg10: memref<1x3x2048xf32, #tpu.memory_space<vmem>>) attributes {dimension_semantics = [#tpu.dimension_semantics<arbitrary>, #tpu.dimension_semantics<arbitrary>], iteration_bounds = array<i64: 16, 8>, scalar_prefetch = 0 : i64, scratch_operands = 0 : i64, tpu.core_type = #tpu.core_type<tc>, window_params = [{transform_indices = @transform_0, window_bounds = array<i64: 1, 2048, 128>}, {pipeline_mode = #tpu.pipeline_mode<synchronous>, transform_indices = @transform_1, window_bounds = array<i64: 2, 128>}, {pipeline_mode = #tpu.pipeline_mode<synchronous>, transform_indices = @transform_2, window_bounds = array<i64: 1, 128>}, {pipeline_mode = #tpu.pipeline_mode<synchronous>, transform_indices = @transform_3, window_bounds = array<i64: 1, 128>}, {transform_indices = @transform_4, window_bounds = array<i64: 1, 2048, 128>}, {transform_indices = @transform_5, window_bounds = array<i64: 1, 128, 3>}, {transform_indices = @transform_6, window_bounds = array<i64: 1, 128, 2048>}, {transform_indices = @transform_7, window_bounds = array<i64: 1, 128, 128>}, {transform_indices = @transform_8, window_bounds = array<i64: 1, 3, 2048>}]} {
    %get3A = arith.constant 0 : index
    %get3A_0 = arith.constant 0 : index
    %get3A_1 = vector.load %arg3[%get3A, %get3A_0] : memref<2x128xf32, #tpu.memory_space<vmem>>, vector<1x128xf32>
    %div3A = arith.constant 2.621440e+05 : f32
    %div3A_2 = vector.broadcast %div3A : f32 to vector<1x128xf32>
    %div3A_3 = arith.divf %get3A_1, %div3A_2 : vector<1x128xf32>
    %get3A_4 = arith.constant 1 : index
    %get3A_5 = arith.constant 0 : index
    %get3A_6 = vector.load %arg3[%get3A_4, %get3A_5] : memref<2x128xf32, #tpu.memory_space<vmem>>, vector<1x128xf32>
    %div3A_7 = arith.constant 2.621440e+05 : f32
    %div3A_8 = vector.broadcast %div3A_7 : f32 to vector<1x128xf32>
    %div3A_9 = arith.divf %get3A_6, %div3A_8 : vector<1x128xf32>
    %mul3A = arith.mulf %div3A_3, %div3A_3 : vector<1x128xf32>
    %sub3A = arith.subf %div3A_9, %mul3A : vector<1x128xf32>
    %get3A_10 = arith.constant 0 : index
    %get3A_11 = arith.constant 0 : index
    %get3A_12 = vector.load %arg4[%get3A_10, %get3A_11] : memref<1x128xf32, #tpu.memory_space<vmem>>, vector<1x128xf32>
    %add3A = arith.constant 9.99999974E-6 : f32
    %add3A_13 = vector.broadcast %add3A : f32 to vector<1x128xf32>
    %add3A_14 = arith.addf %sub3A, %add3A_13 : vector<1x128xf32>
    %sqrt3A = math.sqrt %add3A_14 : vector<1x128xf32>
    %div3A_15 = arith.divf %get3A_12, %sqrt3A : vector<1x128xf32>
    %get3A_16 = arith.constant 0 : index
    %get3A_17 = arith.constant 0 : index
    %get3A_18 = vector.load %arg5[%get3A_16, %get3A_17] : memref<1x128xf32, #tpu.memory_space<vmem>>, vector<1x128xf32>
    %mul3A_19 = arith.mulf %div3A_3, %div3A_15 : vector<1x128xf32>
    %sub3A_20 = arith.subf %get3A_18, %mul3A_19 : vector<1x128xf32>
    %get3A_21 = arith.constant 0 : index
    %get3A_22 = arith.constant 0 : index
    %get3A_23 = arith.constant 0 : index
    %get3A_24 = vector.load %arg2[%get3A_21, %get3A_22, %get3A_23] : memref<1x2048x128xf32, #tpu.memory_space<vmem>>, vector<1x2048x128xf32>
    %get3A_25 = vector.shape_cast %get3A_24 : vector<1x2048x128xf32> to vector<2048x128xf32>
    %mul3A_26 = vector.broadcast %div3A_15 : vector<1x128xf32> to vector<2048x128xf32>
    %mul3A_27 = arith.mulf %get3A_25, %mul3A_26 : vector<2048x128xf32>
    %add3A_28 = vector.broadcast %sub3A_20 : vector<1x128xf32> to vector<2048x128xf32>
    %add3A_29 = arith.addf %mul3A_27, %add3A_28 : vector<2048x128xf32>
    %max3A = arith.constant 0.000000e+00 : f32
    %max3A_30 = vector.broadcast %max3A : f32 to vector<2048x128xf32>
    %max3A_31 = arith.maximumf %add3A_29, %max3A_30 : vector<2048x128xf32>
    %transpose3A = tpu.transpose %max3A_31, [1, 0] : vector<2048x128xf32> -> vector<128x2048xf32>
    %swap3A = arith.constant 0 : index
    %swap3A_32 = arith.constant 0 : index
    %swap3A_33 = arith.constant 0 : index
    %swap3A_34 = vector.load %arg8[%swap3A, %swap3A_32, %swap3A_33] : memref<1x128x2048xf32, #tpu.memory_space<vmem>>, vector<1x128x2048xf32>
    %swap3A_35 = vector.shape_cast %swap3A_34 : vector<1x128x2048xf32> to vector<128x2048xf32>
    %swap3A_36 = vector.shape_cast %transpose3A : vector<128x2048xf32> to vector<1x128x2048xf32>
    tpu.vector_store %arg8[%swap3A, %swap3A_32, %swap3A_33], %swap3A_36 {strides = array<i32>} : memref<1x128x2048xf32, #tpu.memory_space<vmem>>, vector<1x128x2048xf32>,
    %reshape3A = vector.shape_cast %max3A_31 : vector<2048x128xf32> to vector<128x16x128xf32>
    %reduce_max3A = arith.constant dense<0xFF800000> : vector<128x128xf32>
    %reduce_max3A_37 = vector.multi_reduction <maximumf>, %reshape3A, %reduce_max3A [1] : vector<128x16x128xf32> to vector<128x128xf32>
    %transpose3A_38 = tpu.transpose %reduce_max3A_37, [1, 0] : vector<128x128xf32> -> vector<128x128xf32>
    %swap3A_39 = arith.constant 0 : index
    %swap3A_40 = arith.constant 0 : index
    %swap3A_41 = arith.constant 0 : index
    %swap3A_42 = vector.load %arg9[%swap3A_39, %swap3A_40, %swap3A_41] : memref<1x128x128xf32, #tpu.memory_space<vmem>>, vector<1x128x128xf32>
    %swap3A_43 = vector.shape_cast %swap3A_42 : vector<1x128x128xf32> to vector<128x128xf32>
    %swap3A_44 = vector.shape_cast %transpose3A_38 : vector<128x128xf32> to vector<1x128x128xf32>
    tpu.vector_store %arg9[%swap3A_39, %swap3A_40, %swap3A_41], %swap3A_44 {strides = array<i32>} : memref<1x128x128xf32, #tpu.memory_space<vmem>>, vector<1x128x128xf32>,
    %get3A_45 = arith.constant 0 : index
    %get3A_46 = arith.constant 0 : index
    %get3A_47 = arith.constant 0 : index
    %get3A_48 = vector.load %arg7[%get3A_45, %get3A_46, %get3A_47] : memref<1x128x3xf32, #tpu.memory_space<vmem>>, vector<1x128x3xf32>
    %get3A_49 = vector.shape_cast %get3A_48 : vector<1x128x3xf32> to vector<128x3xf32>
    %broadcast_in_dim3A = vector.shape_cast %get3A_49 : vector<128x3xf32> to vector<128x1x3xf32>
    %broadcast_in_dim3A_50 = vector.shape_cast %broadcast_in_dim3A : vector<128x1x3xf32> to vector<128x1x3xf32>
    %broadcast_in_dim3A_51 = vector.broadcast %broadcast_in_dim3A_50 : vector<128x1x3xf32> to vector<128x16x3xf32>
    %reshape3A_52 = vector.shape_cast %broadcast_in_dim3A_51 : vector<128x16x3xf32> to vector<2048x3xf32>
    %get3A_53 = arith.constant 0 : index
    %get3A_54 = arith.constant 0 : index
    %get3A_55 = arith.constant 0 : index
    %get3A_56 = vector.load %arg6[%get3A_53, %get3A_54, %get3A_55] : memref<1x2048x128xf32, #tpu.memory_space<vmem>>, vector<1x2048x128xf32>
    %get3A_57 = vector.shape_cast %get3A_56 : vector<1x2048x128xf32> to vector<2048x128xf32>
    %slice3A = vector.extract_strided_slice %get3A_57 {offsets = [0, 0], sizes = [2048, 3], strides = [1, 1]} : vector<2048x128xf32> to vector<2048x3xf32>
    %sub3A_58 = arith.subf %reshape3A_52, %slice3A : vector<2048x3xf32>
    %transpose3A_59 = tpu.transpose %sub3A_58, [1, 0] : vector<2048x3xf32> -> vector<3x2048xf32>
    %swap3A_60 = arith.constant 0 : index
    %swap3A_61 = arith.constant 0 : index
    %swap3A_62 = arith.constant 0 : index
    %swap3A_63 = vector.load %arg10[%swap3A_60, %swap3A_61, %swap3A_62] : memref<1x3x2048xf32, #tpu.memory_space<vmem>>, vector<1x3x2048xf32>
    %swap3A_64 = vector.shape_cast %swap3A_63 : vector<1x3x2048xf32> to vector<3x2048xf32>
    %swap3A_65 = vector.shape_cast %transpose3A_59 : vector<3x2048xf32> to vector<1x3x2048xf32>
    tpu.vector_store %arg10[%swap3A_60, %swap3A_61, %swap3A_62], %swap3A_65 {strides = array<i32>} : memref<1x3x2048xf32, #tpu.memory_space<vmem>>, vector<1x3x2048xf32>,
    return
  }
  func.func @transform_0(%arg0: i32, %arg1: i32) -> (i32, i32, i32) {
    %c0_i32 = arith.constant 0 : i32
    %c0_i32_0 = arith.constant 0 : i32
    return %arg0, %arg1, %c0_i32 : i32, i32, i32
  }
  func.func @transform_1(%arg0: i32, %arg1: i32) -> (i32, i32) {
    %c0_i32 = arith.constant 0 : i32
    %c0_i32_0 = arith.constant 0 : i32
    %c0_i32_1 = arith.constant 0 : i32
    return %c0_i32, %c0_i32_0 : i32, i32
  }
  func.func @transform_2(%arg0: i32, %arg1: i32) -> (i32, i32) {
    %c0_i32 = arith.constant 0 : i32
    %c0_i32_0 = arith.constant 0 : i32
    %c0_i32_1 = arith.constant 0 : i32
    return %c0_i32, %c0_i32_0 : i32, i32
  }
  func.func @transform_3(%arg0: i32, %arg1: i32) -> (i32, i32) {
    %c0_i32 = arith.constant 0 : i32
    %c0_i32_0 = arith.constant 0 : i32
    %c0_i32_1 = arith.constant 0 : i32
    return %c0_i32, %c0_i32_0 : i32, i32
  }
  func.func @transform_4(%arg0: i32, %arg1: i32) -> (i32, i32, i32) {
    %c0_i32 = arith.constant 0 : i32
    %c0_i32_0 = arith.constant 0 : i32
    return %arg0, %arg1, %c0_i32 : i32, i32, i32
  }
  func.func @transform_5(%arg0: i32, %arg1: i32) -> (i32, i32, i32) {
    %c0_i32 = arith.constant 0 : i32
    %c0_i32_0 = arith.constant 0 : i32
    return %arg0, %arg1, %c0_i32 : i32, i32, i32
  }
  func.func @transform_6(%arg0: i32, %arg1: i32) -> (i32, i32, i32) {
    %c0_i32 = arith.constant 0 : i32
    %c0_i32_0 = arith.constant 0 : i32
    return %arg0, %c0_i32, %arg1 : i32, i32, i32
  }
  func.func @transform_7(%arg0: i32, %arg1: i32) -> (i32, i32, i32) {
    %c0_i32 = arith.constant 0 : i32
    %c0_i32_0 = arith.constant 0 : i32
    return %arg0, %c0_i32, %arg1 : i32, i32, i32
  }
  func.func @transform_8(%arg0: i32, %arg1: i32) -> (i32, i32, i32) {
    %c0_i32 = arith.constant 0 : i32
    %c0_i32_0 = arith.constant 0 : i32
    return %arg0, %c0_i32, %arg1 : i32, i32, i32
  }
}

</mosaic_0001>

<sc_bundles>
// kernel: kernel.8.cloned.1.call-start
scs
__scs_entry_jumppad:
0x0: {  	(pc) =	sbr.rel $0x88, $3  }
0x1: {  	(tag) =	ssettag $0x0;
	lr =	simm.s32 $0x1  }
0x2: {  	[smem:$0x3F9C] =	sst lr;
	_ =	strace $0xD0000000  }
0x3: {  	_ = 	snop  }
0x4: {  	_ = 	snop  }
0x5: {  	_ = 	snop  }
0x6: {  	_ = 	snop  }
0x7: {  	_ = 	snop  }
__scs_overlays_trampoline_lowered:
0x8: {  	[smem:$0x3FAB] =	sst s0  }
0x9: {  	[smem:$0x3FAC] =	sst s1  }
0xa: {  	[smem:$0x3FAD] =	sst s2  }
0xb: {  	[smem:$0x3FAE] =	sst s3  }
0xc: {  	[smem:$0x3FAF] =	sst s4  }
0xd: {  	[smem:$0x3FB0] =	sst s5  }
0xe: {  	[smem:$0x3FB1] =	sst s6  }
0xf: {  	[smem:$0x3FB2] =	sst s7  }
0x10: {  	[smem:$0x3FB3] =	sst s8  }
0x11: {  	[smem:$0x3FB4] =	sst s9;
	s0 =	simm.s32 @!p0 $0x0  }
0x12: {  	s1 =	sld [smem:$0x3F9A];
	s0 =	simm.s32 @p0 $0x1  }
0x13: {  	[smem:$0x3FB5] =	sst s0;
	s0 =	simm.s32 @!p1 $0x0  }
0x14: {  	s2 =	sld [smem:$0x3F99];
	s0 =	simm.s32 @p1 $0x1  }
0x15: {  	[smem:$0x3FB6] =	sst s0;
	s0 =	simm.s32 @!p2 $0x0  }
0x16: {  	s3 =	sld [smem:$0x3FDB];
	s0 =	simm.s32 @p2 $0x1  }
0x17: {  	s4 =	simm.s32 $0x1BF5;
	[smem:$0x3FB8] =	sst s0  }
0x18: {  	s0 =	sld [smem:$0x3F9B];
	_ =	swait.ge [sflag:s4], $0x0  }
0x19: {  	s7 =	sld [smem:$0x3F9C]  }
0x1a: {  	s8 =	sadd.s32 $0xFFFFE003, lr  }
0x1b: {  	s9 =	sadd.s32 $0xFFFFFEF7, lr;
	s5 =	simm.s32 $0xFFFFFFFF;
	p2 =	slt.u32 s8, $0xFFFFF086  }
0x1c: {  	p1 =	slt.u32 s9, $0xF7A;
	s5 =	simm.s32 @!p2 $0x0  }
0x1d: {  	s5 =	simm.s32 @p1 $0x1;
	p0 =	seq.s32 s7, s2  }
0x1e: {  	s7 =	smul.u32 @!p0 $0xF7A, s2;
	p2 =	seq.s32 @!p0 s5, $0x0  }
0x1f: {  	s9 =	smul.u32 $0xF7A, s1;
	s8 =	simm.s32 @!p0 $0x1BF5;
	p2 =	por !p2, p0  }
0x20: {  	[sflag:s8] =	ssyncset.s32 @!p0 $0xFFFFF086;
	s6 =	sadd.s32 @!p0 s3, s7;
	s7 =	simm.s32 @!p0 $0x108  }
0x21: {  	s3 =	sadd.s32 s3, s9;
	s6 =	sadd.s32 @!p0 $0x88, s6;
	s7 =	simm.s32 @p2 $0x1082  }
0x22: {  	[simem:s7], [sflag:s8] =	dma.local @!p0 [hbm:s6], $0xF7A  }
0x23: {  	s9 =	sor.u32 $0xD0000000, s2;
	s6 =	simm.s32 $0x108;
	_ =	swait.ge @!p0 [sflag:s8], $0x0  }
0x24: {  	s3 =	sadd.s32 $0x88, s3;
	s6 =	simm.s32 @!p1 $0x1082;
	[sflag:s4] =	ssyncset.s32 $0xFFFFF086  }
0x25: {  	[simem:s6], [sflag:s4] =	dma.local [hbm:s3], $0xF7A  }
0x26: {  	[smem:$0x3F9C] =	sst s1;
	(tag) =	ssettag s2;
	_ =	strace s9  }
0x27: {  	s1 =	sld [smem:$0x3FAC]  }
0x28: {  	s2 =	sld [smem:$0x3FAD]  }
0x29: {  	s4 =	sld [smem:$0x3FAF]  }
0x2a: {  	p0 =	seq.s32 s5, $0x0;
	s5 =	sld [smem:$0x3FB0]  }
0x2b: {  	s6 =	sld [smem:$0x3FB1]  }
0x2c: {  	s7 =	sld [smem:$0x3FB2]  }
0x2d: {  	s3 =	simm.s32 $0x108;
	s8 =	sld [smem:$0x3FB3]  }
0x2e: {  	s3 =	simm.s32 @!p0 $0x1082;
	s9 =	sld [smem:$0x3FB4]  }
0x2f: {  	lr =	sadd.s32 s0, s3;
	s0 =	sld [smem:$0x3FAB]  }
0x30: {  	s3 =	sld [smem:$0x3FAE]  }
0x31: {  	[smem:$0x3FB7] =	sst s10  }
0x32: {  	s10 =	sld [smem:$0x3FB5];
	_ =	sdelay $0x3  }
0x33: {  	p0 =	seq.s32 s10, $0x1;
	s10 =	sld [smem:$0x3FB7];
	_ =	sdelay $0x3  }
0x34: {  	[smem:$0x3FB7] =	sst s10  }
0x35: {  	s10 =	sld [smem:$0x3FB6];
	_ =	sdelay $0x3  }
0x36: {  	p1 =	seq.s32 s10, $0x1;
	s10 =	sld [smem:$0x3FB7];
	_ =	sdelay $0x3  }
0x37: {  	[smem:$0x3FB7] =	sst s10  }
0x38: {  	s10 =	sld [smem:$0x3FB8]  }
0x39: {  	_ = 	snop;
	(pc) =	sbr.ind lr, $3  }
0x3a: {  	_ = 	snop  }
0x3b: {  	_ = 	snop  }
0x3c: {  	p2 =	seq.s32 s10, $0x1;
	s10 =	sld [smem:$0x3FB7]  }
0x3d: {  	_ =	shalt  }
0x3e: {  	_ =	shalt  }
0x3f: {  	_ =	shalt  }
0x40: {  	_ =	shalt  }
0x41: {  	_ =	shalt  }
0x42: {  	_ =	shalt  }
0x43: {  	_ =	shalt  }
0x44: {  	_ =	shalt  }
0x45: {  	_ =	shalt  }
0x46: {  	_ =	shalt  }
0x47: {  	_ =	shalt  }
0x48: {  	_ =	shalt  }
0x49: {  	_ =	shalt  }
0x4a: {  	_ =	shalt  }
0x4b: {  	_ =	shalt  }
0x4c: {  	_ =	shalt  }
0x4d: {  	_ =	shalt  }
0x4e: {  	_ =	shalt  }
0x4f: {  	_ =	shalt  }
0x50: {  	_ =	shalt  }
0x51: {  	_ =	shalt  }
0x52: {  	_ =	shalt  }
0x53: {  	_ =	shalt  }
0x54: {  	_ =	shalt  }
0x55: {  	_ =	shalt  }
0x56: {  	_ =	shalt  }
0x57: {  	_ =	shalt  }
0x58: {  	_ =	shalt  }
0x59: {  	_ =	shalt  }
0x5a: {  	_ =	shalt  }
0x5b: {  	_ =	shalt  }
0x5c: {  	_ =	shalt  }
0x5d: {  	_ =	shalt  }
0x5e: {  	_ =	shalt  }
0x5f: {  	_ =	shalt  }
0x60: {  	_ =	shalt  }
0x61: {  	_ =	shalt  }
0x62: {  	_ =	shalt  }
0x63: {  	_ =	shalt  }
0x64: {  	_ =	shalt  }
0x65: {  	_ =	shalt  }
0x66: {  	_ =	shalt  }
0x67: {  	_ =	shalt  }
0x68: {  	_ =	shalt  }
0x69: {  	_ =	shalt  }
0x6a: {  	_ =	shalt  }
0x6b: {  	_ =	shalt  }
0x6c: {  	_ =	shalt  }
0x6d: {  	_ =	shalt  }
0x6e: {  	_ =	shalt  }
0x6f: {  	_ =	shalt  }
0x70: {  	_ =	shalt  }
0x71: {  	_ =	shalt  }
0x72: {  	_ =	shalt  }
0x73: {  	_ =	shalt  }
0x74: {  	_ =	shalt  }
0x75: {  	_ =	shalt  }
0x76: {  	_ =	shalt  }
0x77: {  	_ =	shalt  }
0x78: {  	_ =	shalt  }
0x79: {  	_ =	shalt  }
0x7a: {  	_ =	shalt  }
0x7b: {  	_ =	shalt  }
0x7c: {  	_ =	shalt  }
0x7d: {  	_ =	shalt  }
0x7e: {  	_ =	shalt  }
0x7f: {  	_ =	shalt  }
0x80: {  	_ =	shalt  }
0x81: {  	_ =	shalt  }
0x82: {  	_ =	shalt  }
0x83: {  	_ =	shalt  }
0x84: {  	_ =	shalt  }
0x85: {  	_ =	shalt  }
0x86: {  	_ =	shalt  }
0x87: {  	_ =	shalt  }
.Lfunc_end0:
.L_simem_size_0:
called_computation.1_lowered:
.L_overlay_start_0:
0x88: {  	s2 =	sld [smem:$0x3FD9]  }
0x89: {  	s3 =	sld [smem:$0x3FFE];
	_ =	sdelay $0x1  }
0x8a: {  	s1 =	srdreg.scid  }
0x8b: {  	s0 =	sand.u32 $0x1, s1  }
0x8c: {  	s14 =	sshll.u32 s0, $0xA;
	s2 =	sadd.s32 s3, s2  }
0x8d: {  	s2 =	sadd.s32 s2, s14  }
0x8e: {  	[smem:$0x3FC3] =	sst s2  }
0x8f: {  	_ = 	snop  }
0x90: {  	s2 =	sld [smem:$0x3FD0];
	_ =	sdelay $0x2  }
0x91: {  	s15 =	simm.s32 $0xA;
	s4 =	simm.s32 $0x10  }
0x92: {  	[smem:s4], [sflag:s15] =	dma.local [hbm:s2], $0x1  }
0x93: {  	_ =	swait.eq [sflag:s15], $0x1  }
0x94: {  	[sflag:s15] =	ssyncset.done $0x0  }
0x95: {  	s16 =	sld [smem:$0x12];
	[sflag:s15] =	ssyncadd.s32 $0xFFFFFFFF  }
0x96: {  	s17 =	sld [smem:$0x13];
	(tm) =	ssettm $0x1  }
0x97: {  	s18 =	sld [smem:$0x3FFB];
	_ =	sdelay $0x3  }
0x98: {  	_ =	strace s18  }
0x99: {  	s4 =	sld [smem:$0x3FFC];
	_ =	sdelay $0x3  }
0x9a: {  	_ =	strace s4  }
0x9b: {  	s4 =	sld [smem:$0x3FFD];
	_ =	sdelay $0x3  }
0x9c: {  	_ =	strace s4  }
0x9d: {  	_ =	strace $0x8FFFFFFF  }
0x9e: {  	s19 =	sld [smem:$0x3FDB];
	_ =	sdelay $0x1  }
0x9f: {  	s5 =	simm.s32 $_scs_section_size  }
0xa0: {  	s6 =	simm.s32 $_size__tile_overlayer_lowered;
	s7 =	simm.s32 $_tile_overlayer_lowered  }
0xa1: {  	s22 =	simm.s32 $0x1BFF;
	s21 =	sshll.u32 s7, $0x1;
	s4 =	sadd.s32 s5, s19  }
0xa2: {  	s8 =	simm.s32 $0x0;
	s20 =	sshll.u32 s6, $0x1;
	s6 =	sadd.s32 s21, s4  }
0xa3: {  	[timem:s8], [sflag:s22] =	dma.local [hbm:s6], s20  }
0xa4: {  	_ =	swait.ge [sflag:s22], s20  }
0xa5: {  	s5 =	ssub.s32 $0x0, s20;
	[sflag:s22] =	ssyncset.done $0x0  }
0xa6: {  	[sflag:s22] =	ssyncadd.s32 s5;
	_ =	sdelay $0x1  }
0xa7: {  	s23 =	simm.s32 $0x1B8B  }
0xa8: {  	_ =	swait.ge [sflag:s23], $0x1  }
0xa9: {  	[sflag:s23] =	ssyncset.done $0x0  }
0xaa: {  	s25 =	simm.s32 $0x1B8E;
	s24 =	sld [smem:$0x3FFE];
	[sflag:s23] =	ssyncadd.s32 $0xFFFFFFFF  }
0xab: {  	s26 =	simm.s32 $execute0_lowered;
	[smem:$0x3FD2] =	sst s25  }
0xac: {  	s6 =	sshll.u32 s26, $0x1;
	_ =	strace $0x80000046;
	[dreg:$0x1] =	wrdreg $0xFFFFFFFF  }
0xad: {  	s28 =	simm.s32 $_size_execute0_lowered;
	s4 =	sadd.s32 s4, s6;
	[dreg:$0x0] =	wrdreg $0x0  }
0xae: {  	s6 =	sshll.u32 s28, $0x1;
	[dreg:$0x2] =	wrdreg s4  }
0xaf: {  	[dreg:$0x3] =	wrdreg s6  }
0xb0: {  	[dreg:$0x4] =	wrdreg $0xC0  }
0xb1: {  	_ =	task [dreg:s8], $0x5FFFF  }
0xb2: {  	[dreg:$0x1] =	wrdreg $0xFFFFFFFF  }
0xb3: {  	[dreg:$0x0] =	wrdreg $0x60  }
0xb4: {  	[dreg:$0x2] =	wrdreg s17  }
0xb5: {  	[dreg:$0x3] =	wrdreg s24  }
0xb6: {  	[dreg:$0x4] =	wrdreg s16  }
0xb7: {  	[dreg:$0x5] =	wrdreg $0x9  }
0xb8: {  	_ =	task.clear_ibuf [dreg:s8], $0x6FFFF;
	_ =	strace $0x90000046  }
0xb9: {  	s29 =	simm.s32 $0x9;
	_ =	strace $0x80000048  }
0xba: {  	_ =	swait.ge [sflag:s29], $0x1  }
0xbb: {  	[sflag:s29] =	ssyncadd.s32 $0xFFFFFFFF  }
0xbc: {  	_ =	strace $0x90000048  }
0xbd: {  	_ =	sfence  }
0xbe: {  	s30 =	sld [smem:$0x0];
	_ =	sdelay $0x2  }
0xbf: {  	s31 =	sshll.u32 s1, $0xD;
	s1 =	sshrl.u32 s1, $0x2  }
0xc0: {  	s3 =	sand.u32 $0x4000, s31;
	s1 =	sadd.s32 s1, s30  }
0xc1: {  	s0 =	sor.u32 s3, s0;
	s1 =	sshll.u32 s1, $0x11  }
0xc2: {  	s0 =	sor.u32 s1, s0  }
0xc3: {  	s0 =	sadd.s32 $0x8F2B, s0  }
0xc4: {  	[sflag:s0] =	ssyncadd.remote.s32 $0x1  }
0xc5: {  	_ =	sfence.sel $0xFFFF  }
0xc6: {  	[dreg:$0x0] =	wrdreg $0xFFFFFFFF;
	(pc) =	sbr.abs _section_cstart, $3  }
0xc7: {  	[dreg:$0x1] =	wrdreg $0xFFFFFFFF  }
0xc8: {  	_ =	task.clear_ibuf [dreg:s8], $0x2FFFF;
	_ =	strace $0x9FFFFFFF  }
0xc9: {  	(tm) =	ssettm $0x7FFFFFFF  }
tec
execute0_lowered:
.L_overlay_start_1:
0x0: {  	(tag) =	ssettag $0x1  }
0x1: {  	s8 =	rddreg [dreg:$0x0]  }
0x2: {  	s5 =	rddreg [dreg:$0x1]  }
0x3: {  	s2 =	rddreg [dreg:$0x2]  }
0x4: {  	s0 =	rddreg [dreg:$0x3];
	s3 =	simm.s32 $0x0  }
0x5: {  	s1 =	stileid.u32;
	s4 =	srdreg.scid;
	s12 =	simm.s32 $0x1  }
0x6: {  	s13 =	simm.s32 $0x2;
	s14 =	simm.s32 $0x0;
	[smem:$0x7FF] =	sst s3  }
0x7: {  	s6 =	sshll.u32 s1, $0x12;
	s7 =	sand.u32 $0x1, s4;
	s4 =	sadd.s32 $0x104800, s5  }
0x8: {  	s10 =	sshll.u32 s1, $0xE;
	_ =	strace $0x80000047;
	s6 =	sadd.s32 s6, s5  }
0x9: {  	s30 =	ssub.s32 $0x2, s7;
	s11 =	sshll.u32 s7, $0xD;
	s7 =	sshll.u32 s7, $0x11  }
0xa: {  	s9 =	sshrl.u32 s30, $0x1;
	s31 =	sor.u32 s11, s10;
	s7 =	sadd.s32 s7, s6  }
0xb: {  	s10 =	simm.s32 $0x80;
	s11 =	simm.s32 $0x4080;
	s5 =	ssub.s32 s30, s9  }
0xc: {  	s9 =	sshrl.u32 s31, $0x3;
	s6 =	sadd.s32 $0x604800, s7;
	s7 =	sadd.s32 $0x204800, s7  }
0xd: {  	s5 =	smax.u32 s5, $0x1;
	s8 =	sadd.s32 s9, s8;
	s9 =	simm.s32 $0x3  }
.LBB2_1:
0xe: {  	[tilespmem:s3], [sflag:$0x3] =	stream.linear.gather [hbm4b:s8+s3], $0x80, $0x38;
	[tilespmem:$0x8080] =	vst v63  }
0xf: {  	_ =	swait.ge [sflag:s9], $0x80  }
0x10: {  	[sflag:s9] =	ssyncset.done $0x0  }
0x11: {  	[sflag:s9] =	ssyncadd.s32 $0xFFFFFF80  }
0x12: {  	[tilespmem:s10], [sflag:$0x1] =	stream.indirect.gather [hbm4b:s4+s10], $0x80, s3, s10, $0xb8;
	[tilespmem:$0x8080] =	vst v63  }
0x13: {  	_ = 	snop  }
0x14: {  	[tilespmem:s11], [sflag:$0x2] =	stream.indirect.gather [hbm4b:s2+s10], $0x80, s3, s10, $0xb8;
	[tilespmem:$0x8080] =	vst v63  }
0x15: {  	_ =	swait.ge [sflag:s12], $0x4000  }
0x16: {  	[sflag:s12] =	ssyncset.done $0x0  }
0x17: {  	[sflag:s12] =	ssyncadd.s32 $0xFFFFC000  }
0x18: {  	_ =	swait.ge [sflag:s13], $0x4000  }
0x19: {  	[sflag:s13] =	ssyncset.done $0x0  }
0x1a: {  	s15 =	sadd.s32 $0x0, s7;
	[sflag:s13] =	ssyncadd.s32 $0xFFFFC000  }
0x1b: {  	[hbm4b:s15+s3] =	stream.linear.scatter [tilespmem:s10], [sflag:$0x3], $0x4000, $0x38;
	[tilespmem:$0x8080] =	vst v63  }
0x1c: {  	_ =	swait.ge [sflag:s9], $0x4000  }
0x1d: {  	[sflag:s9] =	ssyncset.done $0x0  }
0x1e: {  	s31 =	sadd.s32 $0x0, s6;
	[sflag:s9] =	ssyncadd.s32 $0xFFFFC000  }
0x1f: {  	[hbm4b:s31+s3] =	stream.linear.scatter [tilespmem:s11], [sflag:$0x3], $0x4000, $0x38;
	[tilespmem:$0x8080] =	vst v63  }
0x20: {  	_ =	swait.ge [sflag:s9], $0x4000  }
0x21: {  	s16 =	smov.u32 s8;
	s15 =	simm.s32 $0x800;
	[sflag:s9] =	ssyncset.done $0x0  }
.LBB2_2:
0x22: {  	p0 =	sne.s32 s15, $0x1F800;
	[sflag:s9] =	ssyncadd.s32 $0xFFFFC000;
	s16 =	sadd.s32 $0x10, s16  }
0x23: {  	[tilespmem:s3], [sflag:$0x3] =	stream.linear.gather [hbm4b:s16+s3], $0x80, $0x38;
	[tilespmem:$0x8080] =	vst v63  }
0x24: {  	s17 =	smov.u32 s15;
	s15 =	sadd.s32 $0x800, s15;
	_ =	swait.ge [sflag:s9], $0x80  }
0x25: {  	[sflag:s9] =	ssyncset.done $0x0  }
0x26: {  	[sflag:s9] =	ssyncadd.s32 $0xFFFFFF80  }
0x27: {  	[tilespmem:s10], [sflag:$0x1] =	stream.indirect.gather [hbm4b:s4+s10], $0x80, s3, s10, $0xb8;
	[tilespmem:$0x8080] =	vst v63  }
0x28: {  	_ = 	snop  }
0x29: {  	[tilespmem:s11], [sflag:$0x2] =	stream.indirect.gather [hbm4b:s2+s10], $0x80, s3, s10, $0xb8;
	[tilespmem:$0x8080] =	vst v63  }
0x2a: {  	_ =	swait.ge [sflag:s12], $0x4000  }
0x2b: {  	[sflag:s12] =	ssyncset.done $0x0  }
0x2c: {  	[sflag:s12] =	ssyncadd.s32 $0xFFFFC000  }
0x2d: {  	_ =	swait.ge [sflag:s13], $0x4000  }
0x2e: {  	[sflag:s13] =	ssyncset.done $0x0  }
0x2f: {  	s18 =	sadd.s32 s17, s7;
	[sflag:s13] =	ssyncadd.s32 $0xFFFFC000  }
0x30: {  	[hbm4b:s18+s3] =	stream.linear.scatter [tilespmem:s10], [sflag:$0x3], $0x4000, $0x38;
	[tilespmem:$0x8080] =	vst v63  }
0x31: {  	_ =	swait.ge [sflag:s9], $0x4000  }
.Ltmp0:
0x32: {  	[sflag:s9] =	ssyncset.done $0x0;
	(pc) =	sbr.rel @p0 .LBB2_2-.Ltmp0, $4  }
0x33: {  	s17 =	sadd.s32 s17, s6;
	[sflag:s9] =	ssyncadd.s32 $0xFFFFC000  }
0x34: {  	[hbm4b:s17+s3] =	stream.linear.scatter [tilespmem:s11], [sflag:$0x3], $0x4000, $0x38;
	[tilespmem:$0x8080] =	vst v63  }
0x35: {  	_ =	swait.ge [sflag:s9], $0x4000  }
0x36: {  	[sflag:s9] =	ssyncset.done $0x0  }
0x37: {  	s14 =	sadd.s32 $0x1, s14  }
0x38: {  	p0 =	sne.s32 s14, s5  }
.Ltmp1:
0x39: {  	_ = 	snop;
	(pc) =	sbr.rel @p0 .LBB2_1-.Ltmp1, $2  }
0x3a: {  	_ =	sdelay $0x2  }
0x3b: {  	[sflag:s9] =	ssyncadd.s32 $0xFFFFC000  }
0x3c: {  	_ =	sfence.sel $0x180000  }
0x3d: {  	[bflag:$0x0] =	sbarrier.arrive $0xFFFF  }
0x3e: {  	p0 =	sne.s32 s1, $0x0;
	_ =	strace $0x90000047  }
0x3f: {  	s0 =	sadd.s32 @!p0 $0x100000, s0;
	[bflag:$0x2] =	sbarrier.arrive $0xFFFF  }
0x40: {  	[sflag:s0] =	ssyncadd.tile.s32 @!p0 $0x1;
	_ =	shalt  }
.Lfunc_end2:
_tile_overlayer_lowered:
.L_overlay_start_2:
0x41: {  	(tag) =	ssettag $0x2  }
0x42: {  	s0 =	rddreg [dreg:$0x0];
	s2 =	stileid.u32  }
0x43: {  	s1 =	rddreg [dreg:$0x1];
	p0 =	sne.s32 s2, $0x0  }
0x44: {  	s3 =	rddreg [dreg:$0x2];
	[bflag:$0x3] =	sbarrier.arrive $0xFFFF;
	s2 =	simm.s32 @!p0 $0x1C03  }
0x45: {  	[timem:s3], [sflag:s2] =	dma.local @!p0 [hbm:s0], s1  }
0x46: {  	s0 =	simm.s32 @!p0 $0x3  }
0x47: {  	_ =	swait.ge @!p0 [sflag:s0], s1  }
0x48: {  	s1 =	ssub.s32 @!p0 $0x0, s1;
	[sflag:s0] =	ssyncset.done @!p0 $0x0  }
0x49: {  	[sflag:s0] =	ssyncadd.s32 @!p0 s1  }
0x4a: {  	[bflag:$0x3] =	sbarrier.arrive $0xFFFF  }
0x4b: {  	_ =	shalt  }

// kernel: sparse-core-data-format-call.cloned.1.call-start
scs
called_computation_lowered:
.L_overlay_start_0:
0x0: {  	s2 =	sld [smem:$0x3FD9]  }
0x1: {  	s3 =	sld [smem:$0x3FFE];
	_ =	sdelay $0x1  }
0x2: {  	s1 =	srdreg.scid  }
0x3: {  	s0 =	sand.u32 $0x1, s1  }
0x4: {  	s15 =	sshll.u32 s0, $0xA;
	s2 =	sadd.s32 s3, s2  }
0x5: {  	s2 =	sadd.s32 s2, s15  }
0x6: {  	[smem:$0x3FC3] =	sst s2  }
0x7: {  	_ = 	snop  }
0x8: {  	s2 =	sld [smem:$0x3FD0];
	_ =	sdelay $0x2  }
0x9: {  	s16 =	simm.s32 $0xA;
	s4 =	simm.s32 $0x10  }
0xa: {  	[smem:s4], [sflag:s16] =	dma.local [hbm:s2], $0x1  }
0xb: {  	_ =	swait.eq [sflag:s16], $0x1  }
0xc: {  	[sflag:s16] =	ssyncset.done $0x0  }
0xd: {  	[sflag:s16] =	ssyncadd.s32 $0xFFFFFFFF  }
0xe: {  	s17 =	sld [smem:$0x12];
	(tm) =	ssettm $0x1  }
0xf: {  	s18 =	sld [smem:$0x3FFB];
	_ =	sdelay $0x3  }
0x10: {  	_ =	strace s18  }
0x11: {  	s3 =	sld [smem:$0x3FFC];
	_ =	sdelay $0x3  }
0x12: {  	_ =	strace s3  }
0x13: {  	s3 =	sld [smem:$0x3FFD];
	_ =	sdelay $0x3  }
0x14: {  	_ =	strace s3  }
0x15: {  	_ =	strace $0x8FFFFFFF  }
0x16: {  	s19 =	sld [smem:$0x3FDB];
	_ =	sdelay $0x1  }
0x17: {  	s20 =	simm.s32 $_scs_section_size  }
0x18: {  	s5 =	simm.s32 $_size__tile_overlayer_lowered;
	s6 =	simm.s32 $_tile_overlayer_lowered  }
0x19: {  	s23 =	simm.s32 $0x1BFF;
	s22 =	sshll.u32 s6, $0x1;
	s3 =	sadd.s32 s20, s19  }
0x1a: {  	s7 =	simm.s32 $0x0;
	s21 =	sshll.u32 s5, $0x1;
	s5 =	sadd.s32 s22, s3  }
0x1b: {  	[timem:s7], [sflag:s23] =	dma.local [hbm:s5], s21  }
0x1c: {  	_ =	swait.ge [sflag:s23], s21  }
0x1d: {  	s4 =	ssub.s32 $0x0, s21;
	[sflag:s23] =	ssyncset.done $0x0  }
0x1e: {  	[sflag:s23] =	ssyncadd.s32 s4;
	_ =	sdelay $0x1  }
0x1f: {  	s24 =	simm.s32 $0x1B8B  }
0x20: {  	_ =	swait.ge [sflag:s24], $0x1  }
0x21: {  	[sflag:s24] =	ssyncset.done $0x0  }
0x22: {  	s26 =	simm.s32 $0x1B8E;
	s25 =	sld [smem:$0x3FFE];
	[sflag:s24] =	ssyncadd.s32 $0xFFFFFFFF  }
0x23: {  	s27 =	simm.s32 $execute0_lowered;
	[smem:$0x3FD2] =	sst s26  }
0x24: {  	s5 =	sshll.u32 s27, $0x1;
	_ =	strace $0x80000049;
	[dreg:$0x1] =	wrdreg $0xFFFFFFFF  }
0x25: {  	s28 =	simm.s32 $_size_execute0_lowered;
	s3 =	sadd.s32 s3, s5;
	[dreg:$0x0] =	wrdreg $0x0  }
0x26: {  	s5 =	sshll.u32 s28, $0x1;
	[dreg:$0x2] =	wrdreg s3  }
0x27: {  	[dreg:$0x3] =	wrdreg s5  }
0x28: {  	[dreg:$0x4] =	wrdreg $0xC0  }
0x29: {  	_ =	task [dreg:s7], $0x5FFFF  }
0x2a: {  	[dreg:$0x1] =	wrdreg $0xFFFFFFFF  }
0x2b: {  	[dreg:$0x0] =	wrdreg $0x60  }
0x2c: {  	[dreg:$0x2] =	wrdreg s25  }
0x2d: {  	[dreg:$0x3] =	wrdreg s17  }
0x2e: {  	[dreg:$0x4] =	wrdreg $0x9  }
0x2f: {  	_ =	task.clear_ibuf [dreg:s7], $0x5FFFF;
	_ =	strace $0x90000049  }
0x30: {  	s29 =	simm.s32 $0x9;
	_ =	strace $0x8000004B  }
0x31: {  	_ =	swait.ge [sflag:s29], $0x1  }
0x32: {  	[sflag:s29] =	ssyncadd.s32 $0xFFFFFFFF  }
0x33: {  	_ =	strace $0x9000004B  }
0x34: {  	_ =	sfence  }
0x35: {  	s30 =	sld [smem:$0x0];
	_ =	sdelay $0x2  }
0x36: {  	s31 =	sshll.u32 s1, $0xD;
	s1 =	sshrl.u32 s1, $0x2  }
0x37: {  	s3 =	sand.u32 $0x4000, s31;
	s1 =	sadd.s32 s1, s30  }
0x38: {  	s0 =	sor.u32 s3, s0;
	s1 =	sshll.u32 s1, $0x11  }
0x39: {  	s0 =	sor.u32 s1, s0  }
0x3a: {  	s0 =	sadd.s32 $0x8F2B, s0  }
0x3b: {  	[sflag:s0] =	ssyncadd.remote.s32 $0x1  }
0x3c: {  	_ =	sfence.sel $0xFFFF  }
0x3d: {  	[dreg:$0x0] =	wrdreg $0xFFFFFFFF;
	(pc) =	sbr.abs _section_cstart, $3  }
0x3e: {  	[dreg:$0x1] =	wrdreg $0xFFFFFFFF  }
0x3f: {  	_ =	task.clear_ibuf [dreg:s7], $0x2FFFF;
	_ =	strace $0x9FFFFFFF  }
0x40: {  	(tm) =	ssettm $0x7FFFFFFF  }
0x41: {  	_ =	shalt  }
tec
execute0_lowered:
.L_overlay_start_1:
0x0: {  	(tag) =	ssettag $0x1  }
0x1: {  	s3 =	rddreg [dreg:$0x0]  }
0x2: {  	s0 =	srdreg.scid;
	s1 =	rddreg [dreg:$0x1]  }
0x3: {  	s5 =	simm.s32 $0x1;
	s7 =	simm.s32 $0x2;
	s15 =	simm.s32 $0x0  }
0x4: {  	p0 =	por $0x0, $0x0;
	s8 =	simm.s32 $0x4000;
	s0 =	sshll.u32 s0, $0x7  }
0x5: {  	s13 =	simm.s32 $0x0;
	s14 =	simm.s32 $0x0;
	s2 =	sand.u32 $0x80, s0  }
0x6: {  	s9 =	simm.s32 $0x0;
	s11 =	stileid.u32;
	s6 =	ssub.s32 $0x400, s2  }
.Ltmp0:
0x7: {  	s12 =	simm.s32 $0x0;
	s31 =	sshrl.u32 s6, $0x7;
	(pc) =	sbr.rel .LBB1_1-.Ltmp0, $4  }
0x8: {  	s4 =	sadd.s32 $0x24800, s3;
	s6 =	sshrl.u32 s6, $0x8;
	s3 =	sand.u32 $0x1, s31  }
0x9: {  	s0 =	rddreg [dreg:$0x2];
	_ =	strace $0x8000004A;
	s6 =	sadd.s32 s6, s3  }
0xa: {  	[sflag:s5] =	ssyncpa.u1 $0x0;
	s10 =	smov.u32 s2;
	s6 =	sshll.u32 s6, $0x4  }
0xb: {  	[sflag:s7] =	ssyncpa.u1 $0x0;
	s3 =	stileid.u32;
	s7 =	sor.u32 $0x1, s6  }
.LBB1_4:
0xc: {  	v5 =	vld [tilespmem:s19+$0xFFFFFFD0];
	[tilespmem:s18+$0x2040 ss:$0x81] =	vst.msk $0xffff, v1  }
0xd: {  	v58 =	vld [tilespmem:s19+$0xFFFFFFE0];
	[tilespmem:s18+$0x2850 ss:$0x81] =	vst.msk $0xffff, v2  }
0xe: {  	s20 =	sshra.s32 s20, $0x2;
	v59 =	vld [tilespmem:s19+$0xFFFFFFF0];
	[tilespmem:s18+$0x3060 ss:$0x81] =	vst.msk $0xffff, v3  }
0xf: {  	v60 =	vld [tilespmem:s19+$0x0];
	[tilespmem:s18+$0x0 ss:$0x81] =	vst.msk $0xffff, v0;
	s17 =	sadd.s32 s20, s17  }
0x10: {  	v61 =	vld [tilespmem:s19+$0x10];
	[tilespmem:s17+$0x3870 ss:$0x81] =	vst.msk $0xffff, v4  }
0x11: {  	v62 =	vld [tilespmem:s19+$0x20];
	s26 =	sshll.u32 s15, $0xA;
	s27 =	sshll.u32 s13, $0x3;
	[tilespmem:s17+$0x810 ss:$0x81] =	vst.msk $0xffff, v5  }
0x12: {  	v63 =	vld [tilespmem:s19+$0xFFFFFFC0];
	s29 =	sshll.u32 s15, $0x7;
	s30 =	sand.u32 $0x78, s13;
	s14 =	sshll.u32 s14, $0x12;
	[tilespmem:s17+$0x1020 ss:$0x81] =	vst.msk $0xffff, v58  }
0x13: {  	s18 =	sand.u32 $0x2000, s26;
	s28 =	sand.u32 $0x3C00, s27;
	s15 =	sand.u32 $0x380, s29;
	[tilespmem:s17+$0x1830 ss:$0x81] =	vst.msk $0xffff, v59  }
0x14: {  	s31 =	sand.u32 $0x7, s13;
	s18 =	sadd.s32 s28, s18;
	s15 =	sor.u32 s30, s15;
	[tilespmem:s17+$0x2040 ss:$0x81] =	vst.msk $0xffff, v60  }
0x15: {  	s14 =	sadd.s32 s1, s14;
	s18 =	sshrl.u32 s18, $0x3;
	s15 =	sshrl.u32 s15, $0x3;
	[tilespmem:s17+$0x2850 ss:$0x81] =	vst.msk $0xffff, v61  }
0x16: {  	s13 =	sshll.u32 s31, $0x12;
	s18 =	sand.u32 $0x780, s18;
	s14 =	sadd.s32 s15, s14;
	[tilespmem:s17+$0x3060 ss:$0x81] =	vst.msk $0xffff, v62  }
0x17: {  	s13 =	sor.u32 $0x80, s13;
	[tilespmem:s17+$0x0 ss:$0x81] =	vst.msk $0xffff, v63;
	s14 =	sadd.s32 s18, s14  }
0x18: {  	[hbm4b:s14+s13] =	stream.strided.scatter [tilespmem:s16], [sflag:$0x2], $0x4000, s8, s13, $0x20;
	[tilespmem:$0x10100] =	vst v63  }
.LBB1_5:
0x19: {  	s16 =	sadd.s32 $0x1, s9  }
0x1a: {  	s13 =	sadd.s32 $0x100, s10;
	s17 =	smov.u32 s10;
	p2 =	sgt.s32 s16, $0xF  }
0x1b: {  	s17 =	smov.u32 @p2 s13  }
0x1c: {  	s19 =	smov.u32 s11;
	s13 =	sadd.s32 $0x10, s11;
	p3 =	sgt.s32 s17, $0x3FF  }
0x1d: {  	s19 =	smov.u32 @p3 s13  }
0x1e: {  	s16 =	simm.s32 @p2 $0x0;
	p2 =	sgt.s32 s19, $0xF  }
0x1f: {  	p1 =	slt.u32 s12, $0x2;
	s19 =	smov.u32 @p2 s3;
	p2 =	sne.s32 s12, s7  }
.Ltmp1:
0x20: {  	s18 =	simm.s32 @!p1 $0x2;
	(pc) =	sbr.rel @!p2 .LBB1_6-.Ltmp1, $4  }
0x21: {  	s15 =	smov.u32 s9;
	s14 =	smov.u32 s11;
	_ =	swait.ge @!p1 [sflag:s18], $0x4000  }
0x22: {  	p0 =	por !p0, !p0;
	[sflag:s18] =	ssyncset.done @!p1 $0x0;
	s9 =	smov.u32 s16  }
0x23: {  	s17 =	smov.u32 @p3 s2;
	s13 =	smov.u32 s10;
	[sflag:s18] =	ssyncadd.s32 @!p1 $0xFFFFC000  }
0x24: {  	s10 =	smov.u32 s17;
	s12 =	sadd.s32 $0x1, s12;
	s11 =	smov.u32 s19  }
.LBB1_1:
0x25: {  	p1 =	sge.u32 s12, s6;
	s31 =	sadd.s32 $0xFFFFFFFF, s12  }
0x26: {  	s16 =	sxor.u32 @!p1 $0xFFFFFFFF, s12;
	s17 =	sshll.u32 @!p1 s11, $0x12;
	s18 =	sshll.u32 @!p1 s10, $0x8  }
0x27: {  	s19 =	sshll.u32 @!p1 s9, $0x4;
	s16 =	sshll.u32 @!p1 s16, $0xE;
	s17 =	sadd.s32 @!p1 s4, s17  }
0x28: {  	s19 =	sand.u32 @!p1 $0xF0, s19;
	s16 =	sand.u32 @!p1 $0x4000, s16;
	s17 =	sadd.s32 @!p1 s18, s17  }
0x29: {  	s18 =	simm.s32 @!p1 $0x80;
	s17 =	sadd.s32 @!p1 s19, s17;
	s19 =	simm.s32 @!p1 $0x800  }
0x2a: {  	[tilespmem:s16], [sflag:$0x1] =	stream.strided.gather @!p1 [hbm4b:s17+s18], $0x4000, s19, s18, $0x38;
	[tilespmem:$0x10100] =	vst v63  }
0x2b: {  	p1 =	sge.u32 s31, s6  }
.Ltmp2:
0x2c: {  	_ = 	snop;
	(pc) =	sbr.rel @p1 .LBB1_5-.Ltmp2, $1  }
0x2d: {  	_ =	sdelay $0x3  }
0x2e: {  	s16 =	simm.s32 $0x1  }
0x2f: {  	_ =	swait.ge [sflag:s5], $0x4000;
	s16 =	simm.s32 @!p0 $0x0  }
0x30: {  	[sflag:s5] =	ssyncset.done $0x0;
	s17 =	sshll.u32 s16, $0xE  }
0x31: {  	[sflag:s5] =	ssyncadd.s32 $0xFFFFC000;
	s19 =	sor.u32 $0x40, s17  }
0x32: {  	s16 =	smul.u32 $0x10200, s16;
	v0 =	vld [tilespmem:s19+$0x30]  }
0x33: {  	v3 =	vld [tilespmem:s19+$0xFFFFFFD0]  }
0x34: {  	s16 =	sshrl.u32 s16, $0x2;
	v4 =	vld [tilespmem:s19+$0xFFFFFFE0]  }
0x35: {  	v5 =	vld [tilespmem:s19+$0xFFFFFFF0];
	s17 =	sor.u32 $0x8000, s16  }
0x36: {  	s31 =	sand.u32 $0x1, s12;
	v1 =	vld [tilespmem:s19+$0x0];
	s18 =	sadd.s32 $0x0, s17  }
0x37: {  	v2 =	vld [tilespmem:s19+$0x10];
	s16 =	smul.u32 $0x10200, s31;
	[tilespmem:s18+$0x3870 ss:$0x81] =	vst.msk $0xffff, v0  }
0x38: {  	[tilespmem:s18+$0x810 ss:$0x81] =	vst.msk $0xffff, v3;
	v3 =	vld [tilespmem:s19+$0x20]  }
0x39: {  	s16 =	sshrl.u32 s16, $0x2;
	v0 =	vld [tilespmem:s19+$0xFFFFFFC0];
	[tilespmem:s18+$0x1020 ss:$0x81] =	vst.msk $0xffff, v4;
	s19 =	sadd.s32 $0x80, s19  }
0x3a: {  	s20 =	simm.s32 $0x4;
	s21 =	simm.s32 $0x8;
	s16 =	sor.u32 $0x8000, s16;
	[tilespmem:s18+$0x1830 ss:$0x81] =	vst.msk $0xffff, v5;
	v4 =	vld [tilespmem:s19+$0x30]  }
.LBB1_3:
0x3b: {  	p1 =	sne.s32 s21, $0x1FC;
	v5 =	vld [tilespmem:s19+$0xFFFFFFD0];
	[tilespmem:s18+$0x2040 ss:$0x81] =	vst.msk $0xffff, v1  }
0x3c: {  	v6 =	vld [tilespmem:s19+$0xFFFFFFE0];
	[tilespmem:s18+$0x2850 ss:$0x81] =	vst.msk $0xffff, v2  }
0x3d: {  	s22 =	sshra.s32 s20, $0x2;
	s20 =	smov.u32 s21;
	v7 =	vld [tilespmem:s19+$0xFFFFFFF0];
	[tilespmem:s18+$0x3060 ss:$0x81] =	vst.msk $0xffff, v3  }
.Ltmp3:
0x3e: {  	v1 =	vld [tilespmem:s19+$0x0];
	[tilespmem:s18+$0x0 ss:$0x81] =	vst.msk $0xffff, v0;
	s18 =	sadd.s32 s22, s17;
	(pc) =	sbr.rel @p1 .LBB1_3-.Ltmp3, $4  }
0x3f: {  	v2 =	vld [tilespmem:s19+$0x10];
	[tilespmem:s18+$0x3870 ss:$0x81] =	vst.msk $0xffff, v4  }
0x40: {  	[tilespmem:s18+$0x810 ss:$0x81] =	vst.msk $0xffff, v5;
	v3 =	vld [tilespmem:s19+$0x20]  }
0x41: {  	v0 =	vld [tilespmem:s19+$0xFFFFFFC0];
	[tilespmem:s18+$0x1020 ss:$0x81] =	vst.msk $0xffff, v6;
	s19 =	sadd.s32 $0x80, s19  }
0x42: {  	s21 =	sadd.s32 $0x4, s21;
	v4 =	vld [tilespmem:s19+$0x30];
	[tilespmem:s18+$0x1830 ss:$0x81] =	vst.msk $0xffff, v7  }
.Ltmp4:
0x43: {  	_ = 	snop;
	(pc) =	sbr.rel .LBB1_4-.Ltmp4, $1  }
0x44: {  	_ =	sdelay $0x3  }
.LBB1_6:
0x45: {  	_ =	sfence.sel $0x180000  }
0x46: {  	s1 =	simm.s32 $0x1;
	[bflag:$0x0] =	sbarrier.arrive $0xFFFF  }
0x47: {  	s31 =	simm.s32 $0x2;
	[sflag:s1] =	ssyncpa.u1 $0x1  }
0x48: {  	[sflag:s31] =	ssyncpa.u1 $0x1  }
0x49: {  	p0 =	sne.s32 s3, $0x0;
	_ =	strace $0x9000004A  }
0x4a: {  	s0 =	sadd.s32 @!p0 $0x100000, s0;
	[bflag:$0x2] =	sbarrier.arrive $0xFFFF  }
0x4b: {  	[sflag:s0] =	ssyncadd.tile.s32 @!p0 $0x1;
	_ =	shalt  }
.Lfunc_end1:
_tile_overlayer_lowered:
.L_overlay_start_2:
0x4c: {  	(tag) =	ssettag $0x2  }
0x4d: {  	s0 =	rddreg [dreg:$0x0];
	s2 =	stileid.u32  }
0x4e: {  	s1 =	rddreg [dreg:$0x1];
	p0 =	sne.s32 s2, $0x0  }
0x4f: {  	s3 =	rddreg [dreg:$0x2];
	[bflag:$0x3] =	sbarrier.arrive $0xFFFF;
	s2 =	simm.s32 @!p0 $0x1C01  }
0x50: {  	[timem:s3], [sflag:s2] =	dma.local @!p0 [hbm:s0], s1  }
0x51: {  	s0 =	simm.s32 @!p0 $0x1  }
0x52: {  	_ =	swait.ge @!p0 [sflag:s0], s1  }
0x53: {  	s1 =	ssub.s32 @!p0 $0x0, s1;
	[sflag:s0] =	ssyncset.done @!p0 $0x0  }
0x54: {  	[sflag:s0] =	ssyncadd.s32 @!p0 s1  }
0x55: {  	[bflag:$0x3] =	sbarrier.arrive $0xFFFF  }
0x56: {  	_ =	shalt  }

</sc_bundles>
